<compile_context>
chip_gen: v7x
topology: tpu7x:2x2x1
jax: 0.10.2.dev20260603
libtpu: 0.0.44.dev20260713+nightly
codegen_flags: <defaults>
</compile_context>

<pallas_src>
import jax
import jax.numpy as jnp
from jax import lax
from jax.experimental import pallas as pl
from jax.experimental.pallas import tpu as pltpu
from jax.experimental.pallas import tpu_sc as plsc

N_NODES = 10000
N_EDGES = 320000
D_IN = 128
D_HID = 64

NC = 2
NS = 16
NW = NC * NS
CHUNK = 80
EPW = N_EDGES // NW
NCHUNK = EPW // CHUNK
AGG_ROWS = N_NODES
STRIPE = 1000
NSTRIPE_TILES = N_NODES // STRIPE


def _mm1_body(x_ref, w_ref, o_ref):
    o_ref[...] = jnp.dot(x_ref[...], w_ref[...],
                         preferred_element_type=jnp.float32)


def _epilogue_body(y_ref, p0_ref, p1_ref, b1_ref, w2_ref, b2_ref, o_ref):
    h = y_ref[...] + p0_ref[...] + p1_ref[...] + b1_ref[...]
    h = jnp.maximum(h, 0.0)
    o_ref[...] = jnp.dot(h, w2_ref[...],
                         preferred_element_type=jnp.float32) + b2_ref[...]


NBUF = 5


def _sc_segsum_body(ei_hbm, y_hbm, out_hbm,
                    si_v, di_v, rows, agg_sh, gsems, ssems):
    c = lax.axis_index("c")
    s = lax.axis_index("s")
    w = c * NS + s
    ebase = w * EPW

    pltpu.sync_copy(ei_hbm.at[0, pl.ds(ebase, EPW)], si_v)
    pltpu.sync_copy(ei_hbm.at[1, pl.ds(ebase, EPW)], di_v)

    zbase = s * STRIPE

    def _zrow(r, carry):
        for q in range(D_HID // 16):
            rows[0][r, pl.ds(q * 16, 16)] = jnp.zeros((16,), jnp.float32)
        return carry

    @pl.when(s < NSTRIPE_TILES)
    def _():
        lax.fori_loop(0, CHUNK, _zrow, None)
        for t in range(STRIPE // CHUNK):
            pltpu.sync_copy(rows[0], agg_sh.at[pl.ds(zbase + t * CHUNK, CHUNK)])
        rem = STRIPE % CHUNK
        if rem:
            pltpu.sync_copy(rows[0].at[pl.ds(0, rem)],
                            agg_sh.at[pl.ds(zbase + STRIPE - rem, rem)])
    plsc.subcore_barrier()

    def fire_g(b, i):
        off = pl.multiple_of(i * CHUNK, CHUNK)
        pltpu.async_copy(y_hbm.at[si_v.at[pl.ds(off, CHUNK)]], rows[b], gsems[b])

    def fire_s(b, i):
        off = pl.multiple_of(i * CHUNK, CHUNK)
        pltpu.async_copy(rows[b], agg_sh.at[di_v.at[pl.ds(off, CHUNK)]],
                         ssems[b], add=True)

    def wait_g(b):
        pltpu.make_async_copy(y_hbm.at[pl.ds(0, CHUNK)], rows[b], gsems[b]).wait()

    def wait_s(b):
        pltpu.make_async_copy(rows[b], agg_sh.at[di_v.at[pl.ds(0, CHUNK)]],
                              ssems[b]).wait()

    for b in range(NBUF):
        fire_g(b, b)

    def body(j, _):
        i = NBUF * j
        for b in range(NBUF):
            wait_g(b)
            fire_s(b, i + b)
            wait_s(b)
            fire_g(b, i + b + NBUF)
        return _

    lax.fori_loop(0, NCHUNK // NBUF - 1, body, None)
    for b in range(NBUF):
        wait_g(b)
        fire_s(b, NCHUNK - NBUF + b)
        wait_s(b)

    plsc.subcore_barrier()
    obase = c * N_NODES + s * STRIPE
    @pl.when(s < NSTRIPE_TILES)
    def _():
        pltpu.sync_copy(agg_sh.at[pl.ds(zbase, STRIPE)],
                        out_hbm.at[pl.ds(obase, STRIPE)])


@jax.jit
def kernel(x, edge_index, W1, b1, W2, b2):
    ei = edge_index.astype(jnp.int32)

    y = pl.pallas_call(
        _mm1_body,
        out_shape=jax.ShapeDtypeStruct((N_NODES, D_HID), jnp.float32),
    )(x, W1)

    sc_segsum = pl.kernel(
        _sc_segsum_body,
        out_type=jax.ShapeDtypeStruct((NC * N_NODES, D_HID), jnp.float32),
        mesh=plsc.VectorSubcoreMesh(core_axis_name="c", subcore_axis_name="s"),
        compiler_params=pltpu.CompilerParams(use_tc_tiling_on_sc=False),
        scratch_types=[
            pltpu.VMEM((EPW,), jnp.int32),
            pltpu.VMEM((EPW,), jnp.int32),
            [pltpu.VMEM((CHUNK, D_HID), jnp.float32)] * NBUF,
            pltpu.VMEM_SHARED((AGG_ROWS, D_HID), jnp.float32),
            [pltpu.SemaphoreType.DMA] * NBUF,
            [pltpu.SemaphoreType.DMA] * NBUF,
        ],
    )
    partials = sc_segsum(ei, y)

    out = pl.pallas_call(
        _epilogue_body,
        grid=(1,),
        in_specs=[
            pl.BlockSpec((N_NODES, D_HID), lambda i: (0, 0)),
            pl.BlockSpec((N_NODES, D_HID), lambda i: (0, 0)),
            pl.BlockSpec((N_NODES, D_HID), lambda i: (1, 0)),
            pl.BlockSpec((1, D_HID), lambda i: (0, 0)),
            pl.BlockSpec((D_HID, D_HID), lambda i: (0, 0)),
            pl.BlockSpec((1, D_HID), lambda i: (0, 0)),
        ],
        out_specs=pl.BlockSpec((N_NODES, D_HID), lambda i: (0, 0)),
        out_shape=jax.ShapeDtypeStruct((N_NODES, D_HID), jnp.float32),
    )(y, partials, partials, b1.reshape(1, D_HID), W2, b2.reshape(1, D_HID))
    return out

# --- scband reference (transcript-rebuilt; emitter-appended) ---
"""Pipeline reference for scband-gcn-24146306138775 (READ-ONLY COPY).

The authoritative reference and input builder live on the scoring server;
editing this copy changes nothing except your own understanding.
"""

import jax, jax.numpy as jnp
import numpy as np

N_NODES = 10000
N_EDGES = 320000
D_IN = 128
D_HID = 64
EPS = 0.0  # GINConv default eps


def setup_inputs(seed: int = 0) -> dict:
    key = jax.random.key(seed)
    k_x, k_e, k_w1, k_b1, k_w2, k_b2 = jax.random.split(key, 6)
    x = jax.random.normal(k_x, (N_NODES, D_IN), dtype=jnp.float32)
    edge_index = jax.random.randint(k_e, (2, N_EDGES), 0, N_NODES, dtype=jnp.int64)
    # MLP params (nn.Linear uses x @ W.T + b; store W as [in, out] for jnp)
    lim1 = 1.0 / np.sqrt(D_IN)
    W1 = jax.random.uniform(k_w1, (D_IN, D_HID), minval=-lim1, maxval=lim1, dtype=jnp.float32)
    b1 = jax.random.uniform(k_b1, (D_HID,), minval=-lim1, maxval=lim1, dtype=jnp.float32)
    lim2 = 1.0 / np.sqrt(D_HID)
    W2 = jax.random.uniform(k_w2, (D_HID, D_HID), minval=-lim2, maxval=lim2, dtype=jnp.float32)
    b2 = jax.random.uniform(k_b2, (D_HID,), minval=-lim2, maxval=lim2, dtype=jnp.float32)
    return {"x": x, "edge_index": edge_index, "W1": W1, "b1": b1, "W2": W2, "b2": b2}


def reference(x, edge_index, W1, b1, W2, b2):
    src = edge_index[0]
    dst = edge_index[1]
    # GIN sum aggregation: messages x[src] scatter-added to dst
    msgs = jnp.take(x, src, axis=0)
    agg = jax.ops.segment_sum(msgs, dst, num_segments=N_NODES)
    h = (1.0 + EPS) * x + agg
    # MLP: Linear -> ReLU -> Linear
    h = jnp.maximum(h @ W1 + b1, 0.0)
    out = h @ W2 + b2
    return out

if __name__ == "__main__":
    import jax
    _d = setup_inputs()
    print(jax.jit(kernel)(*tuple(_d.values())))

</pallas_src>

<mosaic_0001>
#map = affine_map<(d0, d1) -> (0, 0)>
module attributes {stable_mosaic.version = 14 : i64} {
  func.func @_sc_segsum_body(%arg0: i32, %arg1: i32, %arg2: memref<2x320000xi32, #tpu.memory_space<hbm>>, %arg3: memref<10000x64xf32, #tpu.memory_space<hbm>>, %arg4: memref<20000x64xf32, #tpu.memory_space<hbm>>, %arg5: memref<10000xi32, #tpu.memory_space<vmem>>, %arg6: memref<10000xi32, #tpu.memory_space<vmem>>, %arg7: memref<80x64xf32, #tpu.memory_space<vmem>>, %arg8: memref<80x64xf32, #tpu.memory_space<vmem>>, %arg9: memref<80x64xf32, #tpu.memory_space<vmem>>, %arg10: memref<80x64xf32, #tpu.memory_space<vmem>>, %arg11: memref<80x64xf32, #tpu.memory_space<vmem>>, %arg12: memref<10000x64xf32, #tpu.memory_space<vmem_shared>>, %arg13: memref<!tpu.dma_semaphore, #tpu.memory_space<semaphore_mem>>, %arg14: memref<!tpu.dma_semaphore, #tpu.memory_space<semaphore_mem>>, %arg15: memref<!tpu.dma_semaphore, #tpu.memory_space<semaphore_mem>>, %arg16: memref<!tpu.dma_semaphore, #tpu.memory_space<semaphore_mem>>, %arg17: memref<!tpu.dma_semaphore, #tpu.memory_space<semaphore_mem>>, %arg18: memref<!tpu.dma_semaphore, #tpu.memory_space<semaphore_mem>>, %arg19: memref<!tpu.dma_semaphore, #tpu.memory_space<semaphore_mem>>, %arg20: memref<!tpu.dma_semaphore, #tpu.memory_space<semaphore_mem>>, %arg21: memref<!tpu.dma_semaphore, #tpu.memory_space<semaphore_mem>>, %arg22: memref<!tpu.dma_semaphore, #tpu.memory_space<semaphore_mem>>) attributes {dimension_semantics = [#tpu.dimension_semantics<core_parallel>, #tpu.dimension_semantics<subcore_parallel>], iteration_bounds = array<i64: 2, 16>, scalar_prefetch = 0 : i64, scratch_operands = 18 : i64, tpu.core_type = #tpu.core_type<sc_vector_subcore>, window_params = [{transform_indices = #map}, {transform_indices = #map}, {transform_indices = #map}]} {
    %mul3A = arith.constant 16 : i32
    %mul3A_0 = arith.muli %arg0, %mul3A : i32
    %add3A = arith.addi %mul3A_0, %arg1 : i32
    %mul3A_1 = arith.constant 10000 : i32
    %mul3A_2 = arith.muli %add3A, %mul3A_1 : i32
    %run_scoped3A = arith.constant 0 : i32
    "tpu.region"() ({
      %run_scoped3A_135 = tpu.sem_alloc : memref<!tpu.dma_semaphore, #tpu.memory_space<semaphore_mem>>
      %dma_start3A_136 = tpu.memref_slice %arg2[%run_scoped3A, %mul3A_2] : memref<2x320000xi32, #tpu.memory_space<hbm>> -> memref<1x10000xi32, #tpu.memory_space<hbm>>
      %dma_start3A_137 = tpu.memref_squeeze %dma_start3A_136 : memref<1x10000xi32, #tpu.memory_space<hbm>> -> memref<10000xi32, #tpu.memory_space<hbm>>
      %dma_start3A_138 = tpu.memref_slice %arg2[%run_scoped3A, %mul3A_2] : memref<2x320000xi32, #tpu.memory_space<hbm>> -> memref<1x10000xi32, #tpu.memory_space<hbm>>
      %dma_start3A_139 = tpu.memref_squeeze %dma_start3A_138 : memref<1x10000xi32, #tpu.memory_space<hbm>> -> memref<10000xi32, #tpu.memory_space<hbm>>
      tpu.enqueue_dma source(%dma_start3A_139 : memref<10000xi32, #tpu.memory_space<hbm>>) target(%arg5 : memref<10000xi32, #tpu.memory_space<vmem>>) target_semaphore(%run_scoped3A_135 : memref<!tpu.dma_semaphore, #tpu.memory_space<semaphore_mem>>)
      %dma_wait3A_140 = tpu.memref_slice %arg2[%run_scoped3A, %mul3A_2] : memref<2x320000xi32, #tpu.memory_space<hbm>> -> memref<1x10000xi32, #tpu.memory_space<hbm>>
      %dma_wait3A_141 = tpu.memref_squeeze %dma_wait3A_140 : memref<1x10000xi32, #tpu.memory_space<hbm>> -> memref<10000xi32, #tpu.memory_space<hbm>>
      %dma_wait3A_142 = tpu.memref_slice %arg2[%run_scoped3A, %mul3A_2] : memref<2x320000xi32, #tpu.memory_space<hbm>> -> memref<1x10000xi32, #tpu.memory_space<hbm>>
      %dma_wait3A_143 = tpu.memref_squeeze %dma_wait3A_142 : memref<1x10000xi32, #tpu.memory_space<hbm>> -> memref<10000xi32, #tpu.memory_space<hbm>>
      tpu.wait_dma2 semaphore(%run_scoped3A_135 : memref<!tpu.dma_semaphore, #tpu.memory_space<semaphore_mem>>) src(%dma_wait3A_143 : memref<10000xi32, #tpu.memory_space<hbm>>) dst(%arg5 : memref<10000xi32, #tpu.memory_space<vmem>>)
      tpu.yield
    }) : () -> ()
    %run_scoped3A_3 = arith.constant 1 : i32
    "tpu.region"() ({
      %run_scoped3A_135 = tpu.sem_alloc : memref<!tpu.dma_semaphore, #tpu.memory_space<semaphore_mem>>
      %dma_start3A_136 = tpu.memref_slice %arg2[%run_scoped3A_3, %mul3A_2] : memref<2x320000xi32, #tpu.memory_space<hbm>> -> memref<1x10000xi32, #tpu.memory_space<hbm>>
      %dma_start3A_137 = tpu.memref_squeeze %dma_start3A_136 : memref<1x10000xi32, #tpu.memory_space<hbm>> -> memref<10000xi32, #tpu.memory_space<hbm>>
      %dma_start3A_138 = tpu.memref_slice %arg2[%run_scoped3A_3, %mul3A_2] : memref<2x320000xi32, #tpu.memory_space<hbm>> -> memref<1x10000xi32, #tpu.memory_space<hbm>>
      %dma_start3A_139 = tpu.memref_squeeze %dma_start3A_138 : memref<1x10000xi32, #tpu.memory_space<hbm>> -> memref<10000xi32, #tpu.memory_space<hbm>>
      tpu.enqueue_dma source(%dma_start3A_139 : memref<10000xi32, #tpu.memory_space<hbm>>) target(%arg6 : memref<10000xi32, #tpu.memory_space<vmem>>) target_semaphore(%run_scoped3A_135 : memref<!tpu.dma_semaphore, #tpu.memory_space<semaphore_mem>>)
      %dma_wait3A_140 = tpu.memref_slice %arg2[%run_scoped3A_3, %mul3A_2] : memref<2x320000xi32, #tpu.memory_space<hbm>> -> memref<1x10000xi32, #tpu.memory_space<hbm>>
      %dma_wait3A_141 = tpu.memref_squeeze %dma_wait3A_140 : memref<1x10000xi32, #tpu.memory_space<hbm>> -> memref<10000xi32, #tpu.memory_space<hbm>>
      %dma_wait3A_142 = tpu.memref_slice %arg2[%run_scoped3A_3, %mul3A_2] : memref<2x320000xi32, #tpu.memory_space<hbm>> -> memref<1x10000xi32, #tpu.memory_space<hbm>>
      %dma_wait3A_143 = tpu.memref_squeeze %dma_wait3A_142 : memref<1x10000xi32, #tpu.memory_space<hbm>> -> memref<10000xi32, #tpu.memory_space<hbm>>
      tpu.wait_dma2 semaphore(%run_scoped3A_135 : memref<!tpu.dma_semaphore, #tpu.memory_space<semaphore_mem>>) src(%dma_wait3A_143 : memref<10000xi32, #tpu.memory_space<hbm>>) dst(%arg6 : memref<10000xi32, #tpu.memory_space<vmem>>)
      tpu.yield
    }) : () -> ()
    %mul3A_4 = arith.constant 1000 : i32
    %mul3A_5 = arith.muli %arg1, %mul3A_4 : i32
    %lt3A = arith.constant 10 : i32
    %lt3A_6 = arith.cmpi slt, %arg1, %lt3A : i32
    %convert_element_type3A = arith.extui %lt3A_6 : i1 to i32
    %cond3A = arith.constant 0 : i32
    %cond3A_7 = arith.cmpi ne, %convert_element_type3A, %cond3A : i32
    scf.if %cond3A_7 {
      %scan3A_135 = arith.constant 0 : i32
      %scan3A_136 = arith.constant 80 : i32
      %scan3A_137 = arith.addi %scan3A_135, %scan3A_136 : i32
      %scan3A_138 = arith.constant 1 : i32
      scf.for %scan3A_167 = %scan3A_135 to %scan3A_137 step %scan3A_138  : i32 {
        %broadcast_in_dim3A = arith.constant 0.000000e+00 : f32
        %broadcast_in_dim3A_168 = vector.broadcast %broadcast_in_dim3A : f32 to vector<16xf32>
        %swap3A = arith.index_cast %scan3A_167 : i32 to index
        %swap3A_169 = arith.constant 0 : index
        %swap3A_170 = tpu.vector_load %arg7[%swap3A, %swap3A_169] {strides = array<i32>} : memref<80x64xf32, #tpu.memory_space<vmem>>, vector<1x16xf32>,
        %swap3A_171 = vector.shape_cast %swap3A_170 : vector<1x16xf32> to vector<16xf32>
        %swap3A_172 = vector.shape_cast %broadcast_in_dim3A_168 : vector<16xf32> to vector<1x16xf32>
        tpu.vector_store %arg7[%swap3A, %swap3A_169], %swap3A_172 {strides = array<i32>} : memref<80x64xf32, #tpu.memory_space<vmem>>, vector<1x16xf32>,
        %broadcast_in_dim3A_173 = arith.constant 0.000000e+00 : f32
        %broadcast_in_dim3A_174 = vector.broadcast %broadcast_in_dim3A_173 : f32 to vector<16xf32>
        %swap3A_175 = arith.index_cast %scan3A_167 : i32 to index
        %swap3A_176 = arith.constant 16 : index
        %swap3A_177 = tpu.vector_load %arg7[%swap3A_175, %swap3A_176] {strides = array<i32>} : memref<80x64xf32, #tpu.memory_space<vmem>>, vector<1x16xf32>,
        %swap3A_178 = vector.shape_cast %swap3A_177 : vector<1x16xf32> to vector<16xf32>
        %swap3A_179 = vector.shape_cast %broadcast_in_dim3A_174 : vector<16xf32> to vector<1x16xf32>
        tpu.vector_store %arg7[%swap3A_175, %swap3A_176], %swap3A_179 {strides = array<i32>} : memref<80x64xf32, #tpu.memory_space<vmem>>, vector<1x16xf32>,
        %broadcast_in_dim3A_180 = arith.constant 0.000000e+00 : f32
        %broadcast_in_dim3A_181 = vector.broadcast %broadcast_in_dim3A_180 : f32 to vector<16xf32>
        %swap3A_182 = arith.index_cast %scan3A_167 : i32 to index
        %swap3A_183 = arith.constant 32 : index
        %swap3A_184 = tpu.vector_load %arg7[%swap3A_182, %swap3A_183] {strides = array<i32>} : memref<80x64xf32, #tpu.memory_space<vmem>>, vector<1x16xf32>,
        %swap3A_185 = vector.shape_cast %swap3A_184 : vector<1x16xf32> to vector<16xf32>
        %swap3A_186 = vector.shape_cast %broadcast_in_dim3A_181 : vector<16xf32> to vector<1x16xf32>
        tpu.vector_store %arg7[%swap3A_182, %swap3A_183], %swap3A_186 {strides = array<i32>} : memref<80x64xf32, #tpu.memory_space<vmem>>, vector<1x16xf32>,
        %broadcast_in_dim3A_187 = arith.constant 0.000000e+00 : f32
        %broadcast_in_dim3A_188 = vector.broadcast %broadcast_in_dim3A_187 : f32 to vector<16xf32>
        %swap3A_189 = arith.index_cast %scan3A_167 : i32 to index
        %swap3A_190 = arith.constant 48 : index
        %swap3A_191 = tpu.vector_load %arg7[%swap3A_189, %swap3A_190] {strides = array<i32>} : memref<80x64xf32, #tpu.memory_space<vmem>>, vector<1x16xf32>,
        %swap3A_192 = vector.shape_cast %swap3A_191 : vector<1x16xf32> to vector<16xf32>
        %swap3A_193 = vector.shape_cast %broadcast_in_dim3A_188 : vector<16xf32> to vector<1x16xf32>
        tpu.vector_store %arg7[%swap3A_189, %swap3A_190], %swap3A_193 {strides = array<i32>} : memref<80x64xf32, #tpu.memory_space<vmem>>, vector<1x16xf32>,
      }
      %scan3A_139 = arith.constant 80 : i32
      %add3A_140 = arith.constant 0 : i32
      %add3A_141 = arith.addi %mul3A_5, %add3A_140 : i32
      "tpu.region"() ({
        %run_scoped3A_167 = tpu.sem_alloc : memref<!tpu.dma_semaphore, #tpu.memory_space<semaphore_mem>>
        %dma_start3A_168 = arith.constant 0 : i32
        %dma_start3A_169 = tpu.memref_slice %arg12[%add3A_141, %dma_start3A_168] : memref<10000x64xf32, #tpu.memory_space<vmem_shared>> -> memref<80x64xf32, #tpu.memory_space<vmem_shared>>
        %dma_start3A_170 = arith.constant 0 : i32
        %dma_start3A_171 = tpu.memref_slice %arg12[%add3A_141, %dma_start3A_170] : memref<10000x64xf32, #tpu.memory_space<vmem_shared>> -> memref<80x64xf32, #tpu.memory_space<vmem_shared>>
        tpu.enqueue_dma source(%arg7 : memref<80x64xf32, #tpu.memory_space<vmem>>) target(%dma_start3A_171 : memref<80x64xf32, #tpu.memory_space<vmem_shared>>) target_semaphore(%run_scoped3A_167 : memref<!tpu.dma_semaphore, #tpu.memory_space<semaphore_mem>>)
        %dma_wait3A_172 = arith.constant 0 : i32
        %dma_wait3A_173 = tpu.memref_slice %arg12[%add3A_141, %dma_wait3A_172] : memref<10000x64xf32, #tpu.memory_space<vmem_shared>> -> memref<80x64xf32, #tpu.memory_space<vmem_shared>>
        %dma_wait3A_174 = arith.constant 0 : i32
        %dma_wait3A_175 = tpu.memref_slice %arg12[%add3A_141, %dma_wait3A_174] : memref<10000x64xf32, #tpu.memory_space<vmem_shared>> -> memref<80x64xf32, #tpu.memory_space<vmem_shared>>
        tpu.wait_dma2 semaphore(%run_scoped3A_167 : memref<!tpu.dma_semaphore, #tpu.memory_space<semaphore_mem>>) src(%arg7 : memref<80x64xf32, #tpu.memory_space<vmem>>) dst(%dma_wait3A_175 : memref<80x64xf32, #tpu.memory_space<vmem_shared>>)
        tpu.yield
      }) : () -> ()
      %add3A_142 = arith.constant 80 : i32
      %add3A_143 = arith.addi %mul3A_5, %add3A_142 : i32
      "tpu.region"() ({
        %run_scoped3A_167 = tpu.sem_alloc : memref<!tpu.dma_semaphore, #tpu.memory_space<semaphore_mem>>
        %dma_start3A_168 = arith.constant 0 : i32
        %dma_start3A_169 = tpu.memref_slice %arg12[%add3A_143, %dma_start3A_168] : memref<10000x64xf32, #tpu.memory_space<vmem_shared>> -> memref<80x64xf32, #tpu.memory_space<vmem_shared>>
        %dma_start3A_170 = arith.constant 0 : i32
        %dma_start3A_171 = tpu.memref_slice %arg12[%add3A_143, %dma_start3A_170] : memref<10000x64xf32, #tpu.memory_space<vmem_shared>> -> memref<80x64xf32, #tpu.memory_space<vmem_shared>>
        tpu.enqueue_dma source(%arg7 : memref<80x64xf32, #tpu.memory_space<vmem>>) target(%dma_start3A_171 : memref<80x64xf32, #tpu.memory_space<vmem_shared>>) target_semaphore(%run_scoped3A_167 : memref<!tpu.dma_semaphore, #tpu.memory_space<semaphore_mem>>)
        %dma_wait3A_172 = arith.constant 0 : i32
        %dma_wait3A_173 = tpu.memref_slice %arg12[%add3A_143, %dma_wait3A_172] : memref<10000x64xf32, #tpu.memory_space<vmem_shared>> -> memref<80x64xf32, #tpu.memory_space<vmem_shared>>
        %dma_wait3A_174 = arith.constant 0 : i32
        %dma_wait3A_175 = tpu.memref_slice %arg12[%add3A_143, %dma_wait3A_174] : memref<10000x64xf32, #tpu.memory_space<vmem_shared>> -> memref<80x64xf32, #tpu.memory_space<vmem_shared>>
        tpu.wait_dma2 semaphore(%run_scoped3A_167 : memref<!tpu.dma_semaphore, #tpu.memory_space<semaphore_mem>>) src(%arg7 : memref<80x64xf32, #tpu.memory_space<vmem>>) dst(%dma_wait3A_175 : memref<80x64xf32, #tpu.memory_space<vmem_shared>>)
        tpu.yield
      }) : () -> ()
      %add3A_144 = arith.constant 160 : i32
      %add3A_145 = arith.addi %mul3A_5, %add3A_144 : i32
      "tpu.region"() ({
        %run_scoped3A_167 = tpu.sem_alloc : memref<!tpu.dma_semaphore, #tpu.memory_space<semaphore_mem>>
        %dma_start3A_168 = arith.constant 0 : i32
        %dma_start3A_169 = tpu.memref_slice %arg12[%add3A_145, %dma_start3A_168] : memref<10000x64xf32, #tpu.memory_space<vmem_shared>> -> memref<80x64xf32, #tpu.memory_space<vmem_shared>>
        %dma_start3A_170 = arith.constant 0 : i32
        %dma_start3A_171 = tpu.memref_slice %arg12[%add3A_145, %dma_start3A_170] : memref<10000x64xf32, #tpu.memory_space<vmem_shared>> -> memref<80x64xf32, #tpu.memory_space<vmem_shared>>
        tpu.enqueue_dma source(%arg7 : memref<80x64xf32, #tpu.memory_space<vmem>>) target(%dma_start3A_171 : memref<80x64xf32, #tpu.memory_space<vmem_shared>>) target_semaphore(%run_scoped3A_167 : memref<!tpu.dma_semaphore, #tpu.memory_space<semaphore_mem>>)
        %dma_wait3A_172 = arith.constant 0 : i32
        %dma_wait3A_173 = tpu.memref_slice %arg12[%add3A_145, %dma_wait3A_172] : memref<10000x64xf32, #tpu.memory_space<vmem_shared>> -> memref<80x64xf32, #tpu.memory_space<vmem_shared>>
        %dma_wait3A_174 = arith.constant 0 : i32
        %dma_wait3A_175 = tpu.memref_slice %arg12[%add3A_145, %dma_wait3A_174] : memref<10000x64xf32, #tpu.memory_space<vmem_shared>> -> memref<80x64xf32, #tpu.memory_space<vmem_shared>>
        tpu.wait_dma2 semaphore(%run_scoped3A_167 : memref<!tpu.dma_semaphore, #tpu.memory_space<semaphore_mem>>) src(%arg7 : memref<80x64xf32, #tpu.memory_space<vmem>>) dst(%dma_wait3A_175 : memref<80x64xf32, #tpu.memory_space<vmem_shared>>)
        tpu.yield
      }) : () -> ()
      %add3A_146 = arith.constant 240 : i32
      %add3A_147 = arith.addi %mul3A_5, %add3A_146 : i32
      "tpu.region"() ({
        %run_scoped3A_167 = tpu.sem_alloc : memref<!tpu.dma_semaphore, #tpu.memory_space<semaphore_mem>>
        %dma_start3A_168 = arith.constant 0 : i32
        %dma_start3A_169 = tpu.memref_slice %arg12[%add3A_147, %dma_start3A_168] : memref<10000x64xf32, #tpu.memory_space<vmem_shared>> -> memref<80x64xf32, #tpu.memory_space<vmem_shared>>
        %dma_start3A_170 = arith.constant 0 : i32
        %dma_start3A_171 = tpu.memref_slice %arg12[%add3A_147, %dma_start3A_170] : memref<10000x64xf32, #tpu.memory_space<vmem_shared>> -> memref<80x64xf32, #tpu.memory_space<vmem_shared>>
        tpu.enqueue_dma source(%arg7 : memref<80x64xf32, #tpu.memory_space<vmem>>) target(%dma_start3A_171 : memref<80x64xf32, #tpu.memory_space<vmem_shared>>) target_semaphore(%run_scoped3A_167 : memref<!tpu.dma_semaphore, #tpu.memory_space<semaphore_mem>>)
        %dma_wait3A_172 = arith.constant 0 : i32
        %dma_wait3A_173 = tpu.memref_slice %arg12[%add3A_147, %dma_wait3A_172] : memref<10000x64xf32, #tpu.memory_space<vmem_shared>> -> memref<80x64xf32, #tpu.memory_space<vmem_shared>>
        %dma_wait3A_174 = arith.constant 0 : i32
        %dma_wait3A_175 = tpu.memref_slice %arg12[%add3A_147, %dma_wait3A_174] : memref<10000x64xf32, #tpu.memory_space<vmem_shared>> -> memref<80x64xf32, #tpu.memory_space<vmem_shared>>
        tpu.wait_dma2 semaphore(%run_scoped3A_167 : memref<!tpu.dma_semaphore, #tpu.memory_space<semaphore_mem>>) src(%arg7 : memref<80x64xf32, #tpu.memory_space<vmem>>) dst(%dma_wait3A_175 : memref<80x64xf32, #tpu.memory_space<vmem_shared>>)
        tpu.yield
      }) : () -> ()
      %add3A_148 = arith.constant 320 : i32
      %add3A_149 = arith.addi %mul3A_5, %add3A_148 : i32
      "tpu.region"() ({
        %run_scoped3A_167 = tpu.sem_alloc : memref<!tpu.dma_semaphore, #tpu.memory_space<semaphore_mem>>
        %dma_start3A_168 = arith.constant 0 : i32
        %dma_start3A_169 = tpu.memref_slice %arg12[%add3A_149, %dma_start3A_168] : memref<10000x64xf32, #tpu.memory_space<vmem_shared>> -> memref<80x64xf32, #tpu.memory_space<vmem_shared>>
        %dma_start3A_170 = arith.constant 0 : i32
        %dma_start3A_171 = tpu.memref_slice %arg12[%add3A_149, %dma_start3A_170] : memref<10000x64xf32, #tpu.memory_space<vmem_shared>> -> memref<80x64xf32, #tpu.memory_space<vmem_shared>>
        tpu.enqueue_dma source(%arg7 : memref<80x64xf32, #tpu.memory_space<vmem>>) target(%dma_start3A_171 : memref<80x64xf32, #tpu.memory_space<vmem_shared>>) target_semaphore(%run_scoped3A_167 : memref<!tpu.dma_semaphore, #tpu.memory_space<semaphore_mem>>)
        %dma_wait3A_172 = arith.constant 0 : i32
        %dma_wait3A_173 = tpu.memref_slice %arg12[%add3A_149, %dma_wait3A_172] : memref<10000x64xf32, #tpu.memory_space<vmem_shared>> -> memref<80x64xf32, #tpu.memory_space<vmem_shared>>
        %dma_wait3A_174 = arith.constant 0 : i32
        %dma_wait3A_175 = tpu.memref_slice %arg12[%add3A_149, %dma_wait3A_174] : memref<10000x64xf32, #tpu.memory_space<vmem_shared>> -> memref<80x64xf32, #tpu.memory_space<vmem_shared>>
        tpu.wait_dma2 semaphore(%run_scoped3A_167 : memref<!tpu.dma_semaphore, #tpu.memory_space<semaphore_mem>>) src(%arg7 : memref<80x64xf32, #tpu.memory_space<vmem>>) dst(%dma_wait3A_175 : memref<80x64xf32, #tpu.memory_space<vmem_shared>>)
        tpu.yield
      }) : () -> ()
      %add3A_150 = arith.constant 400 : i32
      %add3A_151 = arith.addi %mul3A_5, %add3A_150 : i32
      "tpu.region"() ({
        %run_scoped3A_167 = tpu.sem_alloc : memref<!tpu.dma_semaphore, #tpu.memory_space<semaphore_mem>>
        %dma_start3A_168 = arith.constant 0 : i32
        %dma_start3A_169 = tpu.memref_slice %arg12[%add3A_151, %dma_start3A_168] : memref<10000x64xf32, #tpu.memory_space<vmem_shared>> -> memref<80x64xf32, #tpu.memory_space<vmem_shared>>
        %dma_start3A_170 = arith.constant 0 : i32
        %dma_start3A_171 = tpu.memref_slice %arg12[%add3A_151, %dma_start3A_170] : memref<10000x64xf32, #tpu.memory_space<vmem_shared>> -> memref<80x64xf32, #tpu.memory_space<vmem_shared>>
        tpu.enqueue_dma source(%arg7 : memref<80x64xf32, #tpu.memory_space<vmem>>) target(%dma_start3A_171 : memref<80x64xf32, #tpu.memory_space<vmem_shared>>) target_semaphore(%run_scoped3A_167 : memref<!tpu.dma_semaphore, #tpu.memory_space<semaphore_mem>>)
        %dma_wait3A_172 = arith.constant 0 : i32
        %dma_wait3A_173 = tpu.memref_slice %arg12[%add3A_151, %dma_wait3A_172] : memref<10000x64xf32, #tpu.memory_space<vmem_shared>> -> memref<80x64xf32, #tpu.memory_space<vmem_shared>>
        %dma_wait3A_174 = arith.constant 0 : i32
        %dma_wait3A_175 = tpu.memref_slice %arg12[%add3A_151, %dma_wait3A_174] : memref<10000x64xf32, #tpu.memory_space<vmem_shared>> -> memref<80x64xf32, #tpu.memory_space<vmem_shared>>
        tpu.wait_dma2 semaphore(%run_scoped3A_167 : memref<!tpu.dma_semaphore, #tpu.memory_space<semaphore_mem>>) src(%arg7 : memref<80x64xf32, #tpu.memory_space<vmem>>) dst(%dma_wait3A_175 : memref<80x64xf32, #tpu.memory_space<vmem_shared>>)
        tpu.yield
      }) : () -> ()
      %add3A_152 = arith.constant 480 : i32
      %add3A_153 = arith.addi %mul3A_5, %add3A_152 : i32
      "tpu.region"() ({
        %run_scoped3A_167 = tpu.sem_alloc : memref<!tpu.dma_semaphore, #tpu.memory_space<semaphore_mem>>
        %dma_start3A_168 = arith.constant 0 : i32
        %dma_start3A_169 = tpu.memref_slice %arg12[%add3A_153, %dma_start3A_168] : memref<10000x64xf32, #tpu.memory_space<vmem_shared>> -> memref<80x64xf32, #tpu.memory_space<vmem_shared>>
        %dma_start3A_170 = arith.constant 0 : i32
        %dma_start3A_171 = tpu.memref_slice %arg12[%add3A_153, %dma_start3A_170] : memref<10000x64xf32, #tpu.memory_space<vmem_shared>> -> memref<80x64xf32, #tpu.memory_space<vmem_shared>>
        tpu.enqueue_dma source(%arg7 : memref<80x64xf32, #tpu.memory_space<vmem>>) target(%dma_start3A_171 : memref<80x64xf32, #tpu.memory_space<vmem_shared>>) target_semaphore(%run_scoped3A_167 : memref<!tpu.dma_semaphore, #tpu.memory_space<semaphore_mem>>)
        %dma_wait3A_172 = arith.constant 0 : i32
        %dma_wait3A_173 = tpu.memref_slice %arg12[%add3A_153, %dma_wait3A_172] : memref<10000x64xf32, #tpu.memory_space<vmem_shared>> -> memref<80x64xf32, #tpu.memory_space<vmem_shared>>
        %dma_wait3A_174 = arith.constant 0 : i32
        %dma_wait3A_175 = tpu.memref_slice %arg12[%add3A_153, %dma_wait3A_174] : memref<10000x64xf32, #tpu.memory_space<vmem_shared>> -> memref<80x64xf32, #tpu.memory_space<vmem_shared>>
        tpu.wait_dma2 semaphore(%run_scoped3A_167 : memref<!tpu.dma_semaphore, #tpu.memory_space<semaphore_mem>>) src(%arg7 : memref<80x64xf32, #tpu.memory_space<vmem>>) dst(%dma_wait3A_175 : memref<80x64xf32, #tpu.memory_space<vmem_shared>>)
        tpu.yield
      }) : () -> ()
      %add3A_154 = arith.constant 560 : i32
      %add3A_155 = arith.addi %mul3A_5, %add3A_154 : i32
      "tpu.region"() ({
        %run_scoped3A_167 = tpu.sem_alloc : memref<!tpu.dma_semaphore, #tpu.memory_space<semaphore_mem>>
        %dma_start3A_168 = arith.constant 0 : i32
        %dma_start3A_169 = tpu.memref_slice %arg12[%add3A_155, %dma_start3A_168] : memref<10000x64xf32, #tpu.memory_space<vmem_shared>> -> memref<80x64xf32, #tpu.memory_space<vmem_shared>>
        %dma_start3A_170 = arith.constant 0 : i32
        %dma_start3A_171 = tpu.memref_slice %arg12[%add3A_155, %dma_start3A_170] : memref<10000x64xf32, #tpu.memory_space<vmem_shared>> -> memref<80x64xf32, #tpu.memory_space<vmem_shared>>
        tpu.enqueue_dma source(%arg7 : memref<80x64xf32, #tpu.memory_space<vmem>>) target(%dma_start3A_171 : memref<80x64xf32, #tpu.memory_space<vmem_shared>>) target_semaphore(%run_scoped3A_167 : memref<!tpu.dma_semaphore, #tpu.memory_space<semaphore_mem>>)
        %dma_wait3A_172 = arith.constant 0 : i32
        %dma_wait3A_173 = tpu.memref_slice %arg12[%add3A_155, %dma_wait3A_172] : memref<10000x64xf32, #tpu.memory_space<vmem_shared>> -> memref<80x64xf32, #tpu.memory_space<vmem_shared>>
        %dma_wait3A_174 = arith.constant 0 : i32
        %dma_wait3A_175 = tpu.memref_slice %arg12[%add3A_155, %dma_wait3A_174] : memref<10000x64xf32, #tpu.memory_space<vmem_shared>> -> memref<80x64xf32, #tpu.memory_space<vmem_shared>>
        tpu.wait_dma2 semaphore(%run_scoped3A_167 : memref<!tpu.dma_semaphore, #tpu.memory_space<semaphore_mem>>) src(%arg7 : memref<80x64xf32, #tpu.memory_space<vmem>>) dst(%dma_wait3A_175 : memref<80x64xf32, #tpu.memory_space<vmem_shared>>)
        tpu.yield
      }) : () -> ()
      %add3A_156 = arith.constant 640 : i32
      %add3A_157 = arith.addi %mul3A_5, %add3A_156 : i32
      "tpu.region"() ({
        %run_scoped3A_167 = tpu.sem_alloc : memref<!tpu.dma_semaphore, #tpu.memory_space<semaphore_mem>>
        %dma_start3A_168 = arith.constant 0 : i32
        %dma_start3A_169 = tpu.memref_slice %arg12[%add3A_157, %dma_start3A_168] : memref<10000x64xf32, #tpu.memory_space<vmem_shared>> -> memref<80x64xf32, #tpu.memory_space<vmem_shared>>
        %dma_start3A_170 = arith.constant 0 : i32
        %dma_start3A_171 = tpu.memref_slice %arg12[%add3A_157, %dma_start3A_170] : memref<10000x64xf32, #tpu.memory_space<vmem_shared>> -> memref<80x64xf32, #tpu.memory_space<vmem_shared>>
        tpu.enqueue_dma source(%arg7 : memref<80x64xf32, #tpu.memory_space<vmem>>) target(%dma_start3A_171 : memref<80x64xf32, #tpu.memory_space<vmem_shared>>) target_semaphore(%run_scoped3A_167 : memref<!tpu.dma_semaphore, #tpu.memory_space<semaphore_mem>>)
        %dma_wait3A_172 = arith.constant 0 : i32
        %dma_wait3A_173 = tpu.memref_slice %arg12[%add3A_157, %dma_wait3A_172] : memref<10000x64xf32, #tpu.memory_space<vmem_shared>> -> memref<80x64xf32, #tpu.memory_space<vmem_shared>>
        %dma_wait3A_174 = arith.constant 0 : i32
        %dma_wait3A_175 = tpu.memref_slice %arg12[%add3A_157, %dma_wait3A_174] : memref<10000x64xf32, #tpu.memory_space<vmem_shared>> -> memref<80x64xf32, #tpu.memory_space<vmem_shared>>
        tpu.wait_dma2 semaphore(%run_scoped3A_167 : memref<!tpu.dma_semaphore, #tpu.memory_space<semaphore_mem>>) src(%arg7 : memref<80x64xf32, #tpu.memory_space<vmem>>) dst(%dma_wait3A_175 : memref<80x64xf32, #tpu.memory_space<vmem_shared>>)
        tpu.yield
      }) : () -> ()
      %add3A_158 = arith.constant 720 : i32
      %add3A_159 = arith.addi %mul3A_5, %add3A_158 : i32
      "tpu.region"() ({
        %run_scoped3A_167 = tpu.sem_alloc : memref<!tpu.dma_semaphore, #tpu.memory_space<semaphore_mem>>
        %dma_start3A_168 = arith.constant 0 : i32
        %dma_start3A_169 = tpu.memref_slice %arg12[%add3A_159, %dma_start3A_168] : memref<10000x64xf32, #tpu.memory_space<vmem_shared>> -> memref<80x64xf32, #tpu.memory_space<vmem_shared>>
        %dma_start3A_170 = arith.constant 0 : i32
        %dma_start3A_171 = tpu.memref_slice %arg12[%add3A_159, %dma_start3A_170] : memref<10000x64xf32, #tpu.memory_space<vmem_shared>> -> memref<80x64xf32, #tpu.memory_space<vmem_shared>>
        tpu.enqueue_dma source(%arg7 : memref<80x64xf32, #tpu.memory_space<vmem>>) target(%dma_start3A_171 : memref<80x64xf32, #tpu.memory_space<vmem_shared>>) target_semaphore(%run_scoped3A_167 : memref<!tpu.dma_semaphore, #tpu.memory_space<semaphore_mem>>)
        %dma_wait3A_172 = arith.constant 0 : i32
        %dma_wait3A_173 = tpu.memref_slice %arg12[%add3A_159, %dma_wait3A_172] : memref<10000x64xf32, #tpu.memory_space<vmem_shared>> -> memref<80x64xf32, #tpu.memory_space<vmem_shared>>
        %dma_wait3A_174 = arith.constant 0 : i32
        %dma_wait3A_175 = tpu.memref_slice %arg12[%add3A_159, %dma_wait3A_174] : memref<10000x64xf32, #tpu.memory_space<vmem_shared>> -> memref<80x64xf32, #tpu.memory_space<vmem_shared>>
        tpu.wait_dma2 semaphore(%run_scoped3A_167 : memref<!tpu.dma_semaphore, #tpu.memory_space<semaphore_mem>>) src(%arg7 : memref<80x64xf32, #tpu.memory_space<vmem>>) dst(%dma_wait3A_175 : memref<80x64xf32, #tpu.memory_space<vmem_shared>>)
        tpu.yield
      }) : () -> ()
      %add3A_160 = arith.constant 800 : i32
      %add3A_161 = arith.addi %mul3A_5, %add3A_160 : i32
      "tpu.region"() ({
        %run_scoped3A_167 = tpu.sem_alloc : memref<!tpu.dma_semaphore, #tpu.memory_space<semaphore_mem>>
        %dma_start3A_168 = arith.constant 0 : i32
        %dma_start3A_169 = tpu.memref_slice %arg12[%add3A_161, %dma_start3A_168] : memref<10000x64xf32, #tpu.memory_space<vmem_shared>> -> memref<80x64xf32, #tpu.memory_space<vmem_shared>>
        %dma_start3A_170 = arith.constant 0 : i32
        %dma_start3A_171 = tpu.memref_slice %arg12[%add3A_161, %dma_start3A_170] : memref<10000x64xf32, #tpu.memory_space<vmem_shared>> -> memref<80x64xf32, #tpu.memory_space<vmem_shared>>
        tpu.enqueue_dma source(%arg7 : memref<80x64xf32, #tpu.memory_space<vmem>>) target(%dma_start3A_171 : memref<80x64xf32, #tpu.memory_space<vmem_shared>>) target_semaphore(%run_scoped3A_167 : memref<!tpu.dma_semaphore, #tpu.memory_space<semaphore_mem>>)
        %dma_wait3A_172 = arith.constant 0 : i32
        %dma_wait3A_173 = tpu.memref_slice %arg12[%add3A_161, %dma_wait3A_172] : memref<10000x64xf32, #tpu.memory_space<vmem_shared>> -> memref<80x64xf32, #tpu.memory_space<vmem_shared>>
        %dma_wait3A_174 = arith.constant 0 : i32
        %dma_wait3A_175 = tpu.memref_slice %arg12[%add3A_161, %dma_wait3A_174] : memref<10000x64xf32, #tpu.memory_space<vmem_shared>> -> memref<80x64xf32, #tpu.memory_space<vmem_shared>>
        tpu.wait_dma2 semaphore(%run_scoped3A_167 : memref<!tpu.dma_semaphore, #tpu.memory_space<semaphore_mem>>) src(%arg7 : memref<80x64xf32, #tpu.memory_space<vmem>>) dst(%dma_wait3A_175 : memref<80x64xf32, #tpu.memory_space<vmem_shared>>)
        tpu.yield
      }) : () -> ()
      %add3A_162 = arith.constant 880 : i32
      %add3A_163 = arith.addi %mul3A_5, %add3A_162 : i32
      "tpu.region"() ({
        %run_scoped3A_167 = tpu.sem_alloc : memref<!tpu.dma_semaphore, #tpu.memory_space<semaphore_mem>>
        %dma_start3A_168 = arith.constant 0 : i32
        %dma_start3A_169 = tpu.memref_slice %arg12[%add3A_163, %dma_start3A_168] : memref<10000x64xf32, #tpu.memory_space<vmem_shared>> -> memref<80x64xf32, #tpu.memory_space<vmem_shared>>
        %dma_start3A_170 = arith.constant 0 : i32
        %dma_start3A_171 = tpu.memref_slice %arg12[%add3A_163, %dma_start3A_170] : memref<10000x64xf32, #tpu.memory_space<vmem_shared>> -> memref<80x64xf32, #tpu.memory_space<vmem_shared>>
        tpu.enqueue_dma source(%arg7 : memref<80x64xf32, #tpu.memory_space<vmem>>) target(%dma_start3A_171 : memref<80x64xf32, #tpu.memory_space<vmem_shared>>) target_semaphore(%run_scoped3A_167 : memref<!tpu.dma_semaphore, #tpu.memory_space<semaphore_mem>>)
        %dma_wait3A_172 = arith.constant 0 : i32
        %dma_wait3A_173 = tpu.memref_slice %arg12[%add3A_163, %dma_wait3A_172] : memref<10000x64xf32, #tpu.memory_space<vmem_shared>> -> memref<80x64xf32, #tpu.memory_space<vmem_shared>>
        %dma_wait3A_174 = arith.constant 0 : i32
        %dma_wait3A_175 = tpu.memref_slice %arg12[%add3A_163, %dma_wait3A_174] : memref<10000x64xf32, #tpu.memory_space<vmem_shared>> -> memref<80x64xf32, #tpu.memory_space<vmem_shared>>
        tpu.wait_dma2 semaphore(%run_scoped3A_167 : memref<!tpu.dma_semaphore, #tpu.memory_space<semaphore_mem>>) src(%arg7 : memref<80x64xf32, #tpu.memory_space<vmem>>) dst(%dma_wait3A_175 : memref<80x64xf32, #tpu.memory_space<vmem_shared>>)
        tpu.yield
      }) : () -> ()
      %add3A_164 = arith.constant 1000 : i32
      %add3A_165 = arith.addi %mul3A_5, %add3A_164 : i32
      %sub3A = arith.constant 40 : i32
      %sub3A_166 = arith.subi %add3A_165, %sub3A : i32
      "tpu.region"() ({
        %run_scoped3A_167 = tpu.sem_alloc : memref<!tpu.dma_semaphore, #tpu.memory_space<semaphore_mem>>
        %dma_start3A_168 = arith.constant 0 : i32
        %dma_start3A_169 = arith.constant 0 : i32
        %dma_start3A_170 = tpu.memref_slice %arg7[%dma_start3A_168, %dma_start3A_169] : memref<80x64xf32, #tpu.memory_space<vmem>> -> memref<40x64xf32, #tpu.memory_space<vmem>>
        %dma_start3A_171 = arith.constant 0 : i32
        %dma_start3A_172 = tpu.memref_slice %arg12[%sub3A_166, %dma_start3A_171] : memref<10000x64xf32, #tpu.memory_space<vmem_shared>> -> memref<40x64xf32, #tpu.memory_space<vmem_shared>>
        %dma_start3A_173 = arith.constant 0 : i32
        %dma_start3A_174 = tpu.memref_slice %arg12[%sub3A_166, %dma_start3A_173] : memref<10000x64xf32, #tpu.memory_space<vmem_shared>> -> memref<40x64xf32, #tpu.memory_space<vmem_shared>>
        %dma_start3A_175 = arith.constant 0 : i32
        %dma_start3A_176 = arith.constant 0 : i32
        %dma_start3A_177 = tpu.memref_slice %arg7[%dma_start3A_175, %dma_start3A_176] : memref<80x64xf32, #tpu.memory_space<vmem>> -> memref<40x64xf32, #tpu.memory_space<vmem>>
        tpu.enqueue_dma source(%dma_start3A_177 : memref<40x64xf32, #tpu.memory_space<vmem>>) target(%dma_start3A_174 : memref<40x64xf32, #tpu.memory_space<vmem_shared>>) target_semaphore(%run_scoped3A_167 : memref<!tpu.dma_semaphore, #tpu.memory_space<semaphore_mem>>)
        %dma_wait3A_178 = arith.constant 0 : i32
        %dma_wait3A_179 = arith.constant 0 : i32
        %dma_wait3A_180 = tpu.memref_slice %arg7[%dma_wait3A_178, %dma_wait3A_179] : memref<80x64xf32, #tpu.memory_space<vmem>> -> memref<40x64xf32, #tpu.memory_space<vmem>>
        %dma_wait3A_181 = arith.constant 0 : i32
        %dma_wait3A_182 = tpu.memref_slice %arg12[%sub3A_166, %dma_wait3A_181] : memref<10000x64xf32, #tpu.memory_space<vmem_shared>> -> memref<40x64xf32, #tpu.memory_space<vmem_shared>>
        %dma_wait3A_183 = arith.constant 0 : i32
        %dma_wait3A_184 = tpu.memref_slice %arg12[%sub3A_166, %dma_wait3A_183] : memref<10000x64xf32, #tpu.memory_space<vmem_shared>> -> memref<40x64xf32, #tpu.memory_space<vmem_shared>>
        %dma_wait3A_185 = arith.constant 0 : i32
        %dma_wait3A_186 = arith.constant 0 : i32
        %dma_wait3A_187 = tpu.memref_slice %arg7[%dma_wait3A_185, %dma_wait3A_186] : memref<80x64xf32, #tpu.memory_space<vmem>> -> memref<40x64xf32, #tpu.memory_space<vmem>>
        tpu.wait_dma2 semaphore(%run_scoped3A_167 : memref<!tpu.dma_semaphore, #tpu.memory_space<semaphore_mem>>) src(%dma_wait3A_187 : memref<40x64xf32, #tpu.memory_space<vmem>>) dst(%dma_wait3A_184 : memref<40x64xf32, #tpu.memory_space<vmem_shared>>)
        tpu.yield
      }) : () -> ()
    } else {
    }
    %barrier3A = arith.constant 0 : index
    tpu.barrier barrier_id(%barrier3A)
    %multiple_of3A = arith.constant 0 : i32
    %multiple_of3A_8 = tpu.assume_multiple %multiple_of3A, 80 : i32
    %dma_start3A = tpu.memref_slice %arg5[%multiple_of3A_8] : memref<10000xi32, #tpu.memory_space<vmem>> -> memref<80xi32, #tpu.memory_space<vmem>>
    %dma_start3A_9 = arith.constant 0 : i32
    %dma_start3A_10 = arith.constant 0 : i32
    %dma_start3A_11 = tpu.memref_slice %arg3[%dma_start3A_9, %dma_start3A_10] : memref<10000x64xf32, #tpu.memory_space<hbm>> -> memref<10000x64xf32, #tpu.memory_space<hbm>>
    tpu.enqueue_indirect_dma source(%dma_start3A_11 : memref<10000x64xf32, #tpu.memory_space<hbm>>) target(%arg7 : memref<80x64xf32, #tpu.memory_space<vmem>>) offsets(%dma_start3A : memref<80xi32, #tpu.memory_space<vmem>>) semaphore(%arg13 : memref<!tpu.dma_semaphore, #tpu.memory_space<semaphore_mem>>)
    %multiple_of3A_12 = arith.constant 80 : i32
    %multiple_of3A_13 = tpu.assume_multiple %multiple_of3A_12, 80 : i32
    %dma_start3A_14 = tpu.memref_slice %arg5[%multiple_of3A_13] : memref<10000xi32, #tpu.memory_space<vmem>> -> memref<80xi32, #tpu.memory_space<vmem>>
    %dma_start3A_15 = arith.constant 0 : i32
    %dma_start3A_16 = arith.constant 0 : i32
    %dma_start3A_17 = tpu.memref_slice %arg3[%dma_start3A_15, %dma_start3A_16] : memref<10000x64xf32, #tpu.memory_space<hbm>> -> memref<10000x64xf32, #tpu.memory_space<hbm>>
    tpu.enqueue_indirect_dma source(%dma_start3A_17 : memref<10000x64xf32, #tpu.memory_space<hbm>>) target(%arg8 : memref<80x64xf32, #tpu.memory_space<vmem>>) offsets(%dma_start3A_14 : memref<80xi32, #tpu.memory_space<vmem>>) semaphore(%arg14 : memref<!tpu.dma_semaphore, #tpu.memory_space<semaphore_mem>>)
    %multiple_of3A_18 = arith.constant 160 : i32
    %multiple_of3A_19 = tpu.assume_multiple %multiple_of3A_18, 80 : i32
    %dma_start3A_20 = tpu.memref_slice %arg5[%multiple_of3A_19] : memref<10000xi32, #tpu.memory_space<vmem>> -> memref<80xi32, #tpu.memory_space<vmem>>
    %dma_start3A_21 = arith.constant 0 : i32
    %dma_start3A_22 = arith.constant 0 : i32
    %dma_start3A_23 = tpu.memref_slice %arg3[%dma_start3A_21, %dma_start3A_22] : memref<10000x64xf32, #tpu.memory_space<hbm>> -> memref<10000x64xf32, #tpu.memory_space<hbm>>
    tpu.enqueue_indirect_dma source(%dma_start3A_23 : memref<10000x64xf32, #tpu.memory_space<hbm>>) target(%arg9 : memref<80x64xf32, #tpu.memory_space<vmem>>) offsets(%dma_start3A_20 : memref<80xi32, #tpu.memory_space<vmem>>) semaphore(%arg15 : memref<!tpu.dma_semaphore, #tpu.memory_space<semaphore_mem>>)
    %multiple_of3A_24 = arith.constant 240 : i32
    %multiple_of3A_25 = tpu.assume_multiple %multiple_of3A_24, 80 : i32
    %dma_start3A_26 = tpu.memref_slice %arg5[%multiple_of3A_25] : memref<10000xi32, #tpu.memory_space<vmem>> -> memref<80xi32, #tpu.memory_space<vmem>>
    %dma_start3A_27 = arith.constant 0 : i32
    %dma_start3A_28 = arith.constant 0 : i32
    %dma_start3A_29 = tpu.memref_slice %arg3[%dma_start3A_27, %dma_start3A_28] : memref<10000x64xf32, #tpu.memory_space<hbm>> -> memref<10000x64xf32, #tpu.memory_space<hbm>>
    tpu.enqueue_indirect_dma source(%dma_start3A_29 : memref<10000x64xf32, #tpu.memory_space<hbm>>) target(%arg10 : memref<80x64xf32, #tpu.memory_space<vmem>>) offsets(%dma_start3A_26 : memref<80xi32, #tpu.memory_space<vmem>>) semaphore(%arg16 : memref<!tpu.dma_semaphore, #tpu.memory_space<semaphore_mem>>)
    %multiple_of3A_30 = arith.constant 320 : i32
    %multiple_of3A_31 = tpu.assume_multiple %multiple_of3A_30, 80 : i32
    %dma_start3A_32 = tpu.memref_slice %arg5[%multiple_of3A_31] : memref<10000xi32, #tpu.memory_space<vmem>> -> memref<80xi32, #tpu.memory_space<vmem>>
    %dma_start3A_33 = arith.constant 0 : i32
    %dma_start3A_34 = arith.constant 0 : i32
    %dma_start3A_35 = tpu.memref_slice %arg3[%dma_start3A_33, %dma_start3A_34] : memref<10000x64xf32, #tpu.memory_space<hbm>> -> memref<10000x64xf32, #tpu.memory_space<hbm>>
    tpu.enqueue_indirect_dma source(%dma_start3A_35 : memref<10000x64xf32, #tpu.memory_space<hbm>>) target(%arg11 : memref<80x64xf32, #tpu.memory_space<vmem>>) offsets(%dma_start3A_32 : memref<80xi32, #tpu.memory_space<vmem>>) semaphore(%arg17 : memref<!tpu.dma_semaphore, #tpu.memory_space<semaphore_mem>>)
    %scan3A = arith.constant 0 : i32
    %scan3A_36 = arith.constant 24 : i32
    %scan3A_37 = arith.addi %scan3A, %scan3A_36 : i32
    %scan3A_38 = arith.constant 1 : i32
    scf.for %scan3A_135 = %scan3A to %scan3A_37 step %scan3A_38  : i32 {
      %mul3A_136 = arith.constant 5 : i32
      %mul3A_137 = arith.muli %mul3A_136, %scan3A_135 : i32
      %dma_wait3A_138 = arith.constant 0 : i32
      %dma_wait3A_139 = arith.constant 0 : i32
      %dma_wait3A_140 = tpu.memref_slice %arg3[%dma_wait3A_138, %dma_wait3A_139] : memref<10000x64xf32, #tpu.memory_space<hbm>> -> memref<80x64xf32, #tpu.memory_space<hbm>>
      %dma_wait3A_141 = arith.constant 0 : i32
      %dma_wait3A_142 = arith.constant 0 : i32
      %dma_wait3A_143 = tpu.memref_slice %arg3[%dma_wait3A_141, %dma_wait3A_142] : memref<10000x64xf32, #tpu.memory_space<hbm>> -> memref<80x64xf32, #tpu.memory_space<hbm>>
      tpu.wait_dma2 semaphore(%arg13 : memref<!tpu.dma_semaphore, #tpu.memory_space<semaphore_mem>>) src(%dma_wait3A_143 : memref<80x64xf32, #tpu.memory_space<hbm>>) dst(%arg7 : memref<80x64xf32, #tpu.memory_space<vmem>>)
      %add3A_144 = arith.constant 0 : i32
      %add3A_145 = arith.addi %mul3A_137, %add3A_144 : i32
      %mul3A_146 = arith.constant 80 : i32
      %mul3A_147 = arith.muli %add3A_145, %mul3A_146 : i32
      %multiple_of3A_148 = tpu.assume_multiple %mul3A_147, 80 : i32
      %dma_start3A_149 = tpu.memref_slice %arg6[%multiple_of3A_148] : memref<10000xi32, #tpu.memory_space<vmem>> -> memref<80xi32, #tpu.memory_space<vmem>>
      %dma_start3A_150 = arith.constant 0 : i32
      %dma_start3A_151 = arith.constant 0 : i32
      %dma_start3A_152 = tpu.memref_slice %arg12[%dma_start3A_150, %dma_start3A_151] : memref<10000x64xf32, #tpu.memory_space<vmem_shared>> -> memref<10000x64xf32, #tpu.memory_space<vmem_shared>>
      tpu.enqueue_indirect_dma source(%arg7 : memref<80x64xf32, #tpu.memory_space<vmem>>) target(%dma_start3A_152 : memref<10000x64xf32, #tpu.memory_space<vmem_shared>>) offsets(%dma_start3A_149 : memref<80xi32, #tpu.memory_space<vmem>>) semaphore(%arg18 : memref<!tpu.dma_semaphore, #tpu.memory_space<semaphore_mem>>) {add = true}
      %dma_wait3A_153 = arith.constant 0 : i32
      %dma_wait3A_154 = tpu.memref_slice %arg6[%dma_wait3A_153] : memref<10000xi32, #tpu.memory_space<vmem>> -> memref<80xi32, #tpu.memory_space<vmem>>
      %dma_wait3A_155 = arith.constant 0 : i32
      %dma_wait3A_156 = arith.constant 0 : i32
      %dma_wait3A_157 = tpu.memref_slice %arg12[%dma_wait3A_155, %dma_wait3A_156] : memref<10000x64xf32, #tpu.memory_space<vmem_shared>> -> memref<10000x64xf32, #tpu.memory_space<vmem_shared>>
      tpu.wait_indirect_dma semaphore(%arg18 : memref<!tpu.dma_semaphore, #tpu.memory_space<semaphore_mem>>) src(%arg7 : memref<80x64xf32, #tpu.memory_space<vmem>>) dst(%dma_wait3A_157 : memref<10000x64xf32, #tpu.memory_space<vmem_shared>>)
      %add3A_158 = arith.constant 0 : i32
      %add3A_159 = arith.addi %mul3A_137, %add3A_158 : i32
      %add3A_160 = arith.constant 5 : i32
      %add3A_161 = arith.addi %add3A_159, %add3A_160 : i32
      %mul3A_162 = arith.constant 80 : i32
      %mul3A_163 = arith.muli %add3A_161, %mul3A_162 : i32
      %multiple_of3A_164 = tpu.assume_multiple %mul3A_163, 80 : i32
      %dma_start3A_165 = tpu.memref_slice %arg5[%multiple_of3A_164] : memref<10000xi32, #tpu.memory_space<vmem>> -> memref<80xi32, #tpu.memory_space<vmem>>
      %dma_start3A_166 = arith.constant 0 : i32
      %dma_start3A_167 = arith.constant 0 : i32
      %dma_start3A_168 = tpu.memref_slice %arg3[%dma_start3A_166, %dma_start3A_167] : memref<10000x64xf32, #tpu.memory_space<hbm>> -> memref<10000x64xf32, #tpu.memory_space<hbm>>
      tpu.enqueue_indirect_dma source(%dma_start3A_168 : memref<10000x64xf32, #tpu.memory_space<hbm>>) target(%arg7 : memref<80x64xf32, #tpu.memory_space<vmem>>) offsets(%dma_start3A_165 : memref<80xi32, #tpu.memory_space<vmem>>) semaphore(%arg13 : memref<!tpu.dma_semaphore, #tpu.memory_space<semaphore_mem>>)
      %dma_wait3A_169 = arith.constant 0 : i32
      %dma_wait3A_170 = arith.constant 0 : i32
      %dma_wait3A_171 = tpu.memref_slice %arg3[%dma_wait3A_169, %dma_wait3A_170] : memref<10000x64xf32, #tpu.memory_space<hbm>> -> memref<80x64xf32, #tpu.memory_space<hbm>>
      %dma_wait3A_172 = arith.constant 0 : i32
      %dma_wait3A_173 = arith.constant 0 : i32
      %dma_wait3A_174 = tpu.memref_slice %arg3[%dma_wait3A_172, %dma_wait3A_173] : memref<10000x64xf32, #tpu.memory_space<hbm>> -> memref<80x64xf32, #tpu.memory_space<hbm>>
      tpu.wait_dma2 semaphore(%arg14 : memref<!tpu.dma_semaphore, #tpu.memory_space<semaphore_mem>>) src(%dma_wait3A_174 : memref<80x64xf32, #tpu.memory_space<hbm>>) dst(%arg8 : memref<80x64xf32, #tpu.memory_space<vmem>>)
      %add3A_175 = arith.constant 1 : i32
      %add3A_176 = arith.addi %mul3A_137, %add3A_175 : i32
      %mul3A_177 = arith.constant 80 : i32
      %mul3A_178 = arith.muli %add3A_176, %mul3A_177 : i32
      %multiple_of3A_179 = tpu.assume_multiple %mul3A_178, 80 : i32
      %dma_start3A_180 = tpu.memref_slice %arg6[%multiple_of3A_179] : memref<10000xi32, #tpu.memory_space<vmem>> -> memref<80xi32, #tpu.memory_space<vmem>>
      %dma_start3A_181 = arith.constant 0 : i32
      %dma_start3A_182 = arith.constant 0 : i32
      %dma_start3A_183 = tpu.memref_slice %arg12[%dma_start3A_181, %dma_start3A_182] : memref<10000x64xf32, #tpu.memory_space<vmem_shared>> -> memref<10000x64xf32, #tpu.memory_space<vmem_shared>>
      tpu.enqueue_indirect_dma source(%arg8 : memref<80x64xf32, #tpu.memory_space<vmem>>) target(%dma_start3A_183 : memref<10000x64xf32, #tpu.memory_space<vmem_shared>>) offsets(%dma_start3A_180 : memref<80xi32, #tpu.memory_space<vmem>>) semaphore(%arg19 : memref<!tpu.dma_semaphore, #tpu.memory_space<semaphore_mem>>) {add = true}
      %dma_wait3A_184 = arith.constant 0 : i32
      %dma_wait3A_185 = tpu.memref_slice %arg6[%dma_wait3A_184] : memref<10000xi32, #tpu.memory_space<vmem>> -> memref<80xi32, #tpu.memory_space<vmem>>
      %dma_wait3A_186 = arith.constant 0 : i32
      %dma_wait3A_187 = arith.constant 0 : i32
      %dma_wait3A_188 = tpu.memref_slice %arg12[%dma_wait3A_186, %dma_wait3A_187] : memref<10000x64xf32, #tpu.memory_space<vmem_shared>> -> memref<10000x64xf32, #tpu.memory_space<vmem_shared>>
      tpu.wait_indirect_dma semaphore(%arg19 : memref<!tpu.dma_semaphore, #tpu.memory_space<semaphore_mem>>) src(%arg8 : memref<80x64xf32, #tpu.memory_space<vmem>>) dst(%dma_wait3A_188 : memref<10000x64xf32, #tpu.memory_space<vmem_shared>>)
      %add3A_189 = arith.constant 1 : i32
      %add3A_190 = arith.addi %mul3A_137, %add3A_189 : i32
      %add3A_191 = arith.constant 5 : i32
      %add3A_192 = arith.addi %add3A_190, %add3A_191 : i32
      %mul3A_193 = arith.constant 80 : i32
      %mul3A_194 = arith.muli %add3A_192, %mul3A_193 : i32
      %multiple_of3A_195 = tpu.assume_multiple %mul3A_194, 80 : i32
      %dma_start3A_196 = tpu.memref_slice %arg5[%multiple_of3A_195] : memref<10000xi32, #tpu.memory_space<vmem>> -> memref<80xi32, #tpu.memory_space<vmem>>
      %dma_start3A_197 = arith.constant 0 : i32
      %dma_start3A_198 = arith.constant 0 : i32
      %dma_start3A_199 = tpu.memref_slice %arg3[%dma_start3A_197, %dma_start3A_198] : memref<10000x64xf32, #tpu.memory_space<hbm>> -> memref<10000x64xf32, #tpu.memory_space<hbm>>
      tpu.enqueue_indirect_dma source(%dma_start3A_199 : memref<10000x64xf32, #tpu.memory_space<hbm>>) target(%arg8 : memref<80x64xf32, #tpu.memory_space<vmem>>) offsets(%dma_start3A_196 : memref<80xi32, #tpu.memory_space<vmem>>) semaphore(%arg14 : memref<!tpu.dma_semaphore, #tpu.memory_space<semaphore_mem>>)
      %dma_wait3A_200 = arith.constant 0 : i32
      %dma_wait3A_201 = arith.constant 0 : i32
      %dma_wait3A_202 = tpu.memref_slice %arg3[%dma_wait3A_200, %dma_wait3A_201] : memref<10000x64xf32, #tpu.memory_space<hbm>> -> memref<80x64xf32, #tpu.memory_space<hbm>>
      %dma_wait3A_203 = arith.constant 0 : i32
      %dma_wait3A_204 = arith.constant 0 : i32
      %dma_wait3A_205 = tpu.memref_slice %arg3[%dma_wait3A_203, %dma_wait3A_204] : memref<10000x64xf32, #tpu.memory_space<hbm>> -> memref<80x64xf32, #tpu.memory_space<hbm>>
      tpu.wait_dma2 semaphore(%arg15 : memref<!tpu.dma_semaphore, #tpu.memory_space<semaphore_mem>>) src(%dma_wait3A_205 : memref<80x64xf32, #tpu.memory_space<hbm>>) dst(%arg9 : memref<80x64xf32, #tpu.memory_space<vmem>>)
      %add3A_206 = arith.constant 2 : i32
      %add3A_207 = arith.addi %mul3A_137, %add3A_206 : i32
      %mul3A_208 = arith.constant 80 : i32
      %mul3A_209 = arith.muli %add3A_207, %mul3A_208 : i32
      %multiple_of3A_210 = tpu.assume_multiple %mul3A_209, 80 : i32
      %dma_start3A_211 = tpu.memref_slice %arg6[%multiple_of3A_210] : memref<10000xi32, #tpu.memory_space<vmem>> -> memref<80xi32, #tpu.memory_space<vmem>>
      %dma_start3A_212 = arith.constant 0 : i32
      %dma_start3A_213 = arith.constant 0 : i32
      %dma_start3A_214 = tpu.memref_slice %arg12[%dma_start3A_212, %dma_start3A_213] : memref<10000x64xf32, #tpu.memory_space<vmem_shared>> -> memref<10000x64xf32, #tpu.memory_space<vmem_shared>>
      tpu.enqueue_indirect_dma source(%arg9 : memref<80x64xf32, #tpu.memory_space<vmem>>) target(%dma_start3A_214 : memref<10000x64xf32, #tpu.memory_space<vmem_shared>>) offsets(%dma_start3A_211 : memref<80xi32, #tpu.memory_space<vmem>>) semaphore(%arg20 : memref<!tpu.dma_semaphore, #tpu.memory_space<semaphore_mem>>) {add = true}
      %dma_wait3A_215 = arith.constant 0 : i32
      %dma_wait3A_216 = tpu.memref_slice %arg6[%dma_wait3A_215] : memref<10000xi32, #tpu.memory_space<vmem>> -> memref<80xi32, #tpu.memory_space<vmem>>
      %dma_wait3A_217 = arith.constant 0 : i32
      %dma_wait3A_218 = arith.constant 0 : i32
      %dma_wait3A_219 = tpu.memref_slice %arg12[%dma_wait3A_217, %dma_wait3A_218] : memref<10000x64xf32, #tpu.memory_space<vmem_shared>> -> memref<10000x64xf32, #tpu.memory_space<vmem_shared>>
      tpu.wait_indirect_dma semaphore(%arg20 : memref<!tpu.dma_semaphore, #tpu.memory_space<semaphore_mem>>) src(%arg9 : memref<80x64xf32, #tpu.memory_space<vmem>>) dst(%dma_wait3A_219 : memref<10000x64xf32, #tpu.memory_space<vmem_shared>>)
      %add3A_220 = arith.constant 2 : i32
      %add3A_221 = arith.addi %mul3A_137, %add3A_220 : i32
      %add3A_222 = arith.constant 5 : i32
      %add3A_223 = arith.addi %add3A_221, %add3A_222 : i32
      %mul3A_224 = arith.constant 80 : i32
      %mul3A_225 = arith.muli %add3A_223, %mul3A_224 : i32
      %multiple_of3A_226 = tpu.assume_multiple %mul3A_225, 80 : i32
      %dma_start3A_227 = tpu.memref_slice %arg5[%multiple_of3A_226] : memref<10000xi32, #tpu.memory_space<vmem>> -> memref<80xi32, #tpu.memory_space<vmem>>
      %dma_start3A_228 = arith.constant 0 : i32
      %dma_start3A_229 = arith.constant 0 : i32
      %dma_start3A_230 = tpu.memref_slice %arg3[%dma_start3A_228, %dma_start3A_229] : memref<10000x64xf32, #tpu.memory_space<hbm>> -> memref<10000x64xf32, #tpu.memory_space<hbm>>
      tpu.enqueue_indirect_dma source(%dma_start3A_230 : memref<10000x64xf32, #tpu.memory_space<hbm>>) target(%arg9 : memref<80x64xf32, #tpu.memory_space<vmem>>) offsets(%dma_start3A_227 : memref<80xi32, #tpu.memory_space<vmem>>) semaphore(%arg15 : memref<!tpu.dma_semaphore, #tpu.memory_space<semaphore_mem>>)
      %dma_wait3A_231 = arith.constant 0 : i32
      %dma_wait3A_232 = arith.constant 0 : i32
      %dma_wait3A_233 = tpu.memref_slice %arg3[%dma_wait3A_231, %dma_wait3A_232] : memref<10000x64xf32, #tpu.memory_space<hbm>> -> memref<80x64xf32, #tpu.memory_space<hbm>>
      %dma_wait3A_234 = arith.constant 0 : i32
      %dma_wait3A_235 = arith.constant 0 : i32
      %dma_wait3A_236 = tpu.memref_slice %arg3[%dma_wait3A_234, %dma_wait3A_235] : memref<10000x64xf32, #tpu.memory_space<hbm>> -> memref<80x64xf32, #tpu.memory_space<hbm>>
      tpu.wait_dma2 semaphore(%arg16 : memref<!tpu.dma_semaphore, #tpu.memory_space<semaphore_mem>>) src(%dma_wait3A_236 : memref<80x64xf32, #tpu.memory_space<hbm>>) dst(%arg10 : memref<80x64xf32, #tpu.memory_space<vmem>>)
      %add3A_237 = arith.constant 3 : i32
      %add3A_238 = arith.addi %mul3A_137, %add3A_237 : i32
      %mul3A_239 = arith.constant 80 : i32
      %mul3A_240 = arith.muli %add3A_238, %mul3A_239 : i32
      %multiple_of3A_241 = tpu.assume_multiple %mul3A_240, 80 : i32
      %dma_start3A_242 = tpu.memref_slice %arg6[%multiple_of3A_241] : memref<10000xi32, #tpu.memory_space<vmem>> -> memref<80xi32, #tpu.memory_space<vmem>>
      %dma_start3A_243 = arith.constant 0 : i32
      %dma_start3A_244 = arith.constant 0 : i32
      %dma_start3A_245 = tpu.memref_slice %arg12[%dma_start3A_243, %dma_start3A_244] : memref<10000x64xf32, #tpu.memory_space<vmem_shared>> -> memref<10000x64xf32, #tpu.memory_space<vmem_shared>>
      tpu.enqueue_indirect_dma source(%arg10 : memref<80x64xf32, #tpu.memory_space<vmem>>) target(%dma_start3A_245 : memref<10000x64xf32, #tpu.memory_space<vmem_shared>>) offsets(%dma_start3A_242 : memref<80xi32, #tpu.memory_space<vmem>>) semaphore(%arg21 : memref<!tpu.dma_semaphore, #tpu.memory_space<semaphore_mem>>) {add = true}
      %dma_wait3A_246 = arith.constant 0 : i32
      %dma_wait3A_247 = tpu.memref_slice %arg6[%dma_wait3A_246] : memref<10000xi32, #tpu.memory_space<vmem>> -> memref<80xi32, #tpu.memory_space<vmem>>
      %dma_wait3A_248 = arith.constant 0 : i32
      %dma_wait3A_249 = arith.constant 0 : i32
      %dma_wait3A_250 = tpu.memref_slice %arg12[%dma_wait3A_248, %dma_wait3A_249] : memref<10000x64xf32, #tpu.memory_space<vmem_shared>> -> memref<10000x64xf32, #tpu.memory_space<vmem_shared>>
      tpu.wait_indirect_dma semaphore(%arg21 : memref<!tpu.dma_semaphore, #tpu.memory_space<semaphore_mem>>) src(%arg10 : memref<80x64xf32, #tpu.memory_space<vmem>>) dst(%dma_wait3A_250 : memref<10000x64xf32, #tpu.memory_space<vmem_shared>>)
      %add3A_251 = arith.constant 3 : i32
      %add3A_252 = arith.addi %mul3A_137, %add3A_251 : i32
      %add3A_253 = arith.constant 5 : i32
      %add3A_254 = arith.addi %add3A_252, %add3A_253 : i32
      %mul3A_255 = arith.constant 80 : i32
      %mul3A_256 = arith.muli %add3A_254, %mul3A_255 : i32
      %multiple_of3A_257 = tpu.assume_multiple %mul3A_256, 80 : i32
      %dma_start3A_258 = tpu.memref_slice %arg5[%multiple_of3A_257] : memref<10000xi32, #tpu.memory_space<vmem>> -> memref<80xi32, #tpu.memory_space<vmem>>
      %dma_start3A_259 = arith.constant 0 : i32
      %dma_start3A_260 = arith.constant 0 : i32
      %dma_start3A_261 = tpu.memref_slice %arg3[%dma_start3A_259, %dma_start3A_260] : memref<10000x64xf32, #tpu.memory_space<hbm>> -> memref<10000x64xf32, #tpu.memory_space<hbm>>
      tpu.enqueue_indirect_dma source(%dma_start3A_261 : memref<10000x64xf32, #tpu.memory_space<hbm>>) target(%arg10 : memref<80x64xf32, #tpu.memory_space<vmem>>) offsets(%dma_start3A_258 : memref<80xi32, #tpu.memory_space<vmem>>) semaphore(%arg16 : memref<!tpu.dma_semaphore, #tpu.memory_space<semaphore_mem>>)
      %dma_wait3A_262 = arith.constant 0 : i32
      %dma_wait3A_263 = arith.constant 0 : i32
      %dma_wait3A_264 = tpu.memref_slice %arg3[%dma_wait3A_262, %dma_wait3A_263] : memref<10000x64xf32, #tpu.memory_space<hbm>> -> memref<80x64xf32, #tpu.memory_space<hbm>>
      %dma_wait3A_265 = arith.constant 0 : i32
      %dma_wait3A_266 = arith.constant 0 : i32
      %dma_wait3A_267 = tpu.memref_slice %arg3[%dma_wait3A_265, %dma_wait3A_266] : memref<10000x64xf32, #tpu.memory_space<hbm>> -> memref<80x64xf32, #tpu.memory_space<hbm>>
      tpu.wait_dma2 semaphore(%arg17 : memref<!tpu.dma_semaphore, #tpu.memory_space<semaphore_mem>>) src(%dma_wait3A_267 : memref<80x64xf32, #tpu.memory_space<hbm>>) dst(%arg11 : memref<80x64xf32, #tpu.memory_space<vmem>>)
      %add3A_268 = arith.constant 4 : i32
      %add3A_269 = arith.addi %mul3A_137, %add3A_268 : i32
      %mul3A_270 = arith.constant 80 : i32
      %mul3A_271 = arith.muli %add3A_269, %mul3A_270 : i32
      %multiple_of3A_272 = tpu.assume_multiple %mul3A_271, 80 : i32
      %dma_start3A_273 = tpu.memref_slice %arg6[%multiple_of3A_272] : memref<10000xi32, #tpu.memory_space<vmem>> -> memref<80xi32, #tpu.memory_space<vmem>>
      %dma_start3A_274 = arith.constant 0 : i32
      %dma_start3A_275 = arith.constant 0 : i32
      %dma_start3A_276 = tpu.memref_slice %arg12[%dma_start3A_274, %dma_start3A_275] : memref<10000x64xf32, #tpu.memory_space<vmem_shared>> -> memref<10000x64xf32, #tpu.memory_space<vmem_shared>>
      tpu.enqueue_indirect_dma source(%arg11 : memref<80x64xf32, #tpu.memory_space<vmem>>) target(%dma_start3A_276 : memref<10000x64xf32, #tpu.memory_space<vmem_shared>>) offsets(%dma_start3A_273 : memref<80xi32, #tpu.memory_space<vmem>>) semaphore(%arg22 : memref<!tpu.dma_semaphore, #tpu.memory_space<semaphore_mem>>) {add = true}
      %dma_wait3A_277 = arith.constant 0 : i32
      %dma_wait3A_278 = tpu.memref_slice %arg6[%dma_wait3A_277] : memref<10000xi32, #tpu.memory_space<vmem>> -> memref<80xi32, #tpu.memory_space<vmem>>
      %dma_wait3A_279 = arith.constant 0 : i32
      %dma_wait3A_280 = arith.constant 0 : i32
      %dma_wait3A_281 = tpu.memref_slice %arg12[%dma_wait3A_279, %dma_wait3A_280] : memref<10000x64xf32, #tpu.memory_space<vmem_shared>> -> memref<10000x64xf32, #tpu.memory_space<vmem_shared>>
      tpu.wait_indirect_dma semaphore(%arg22 : memref<!tpu.dma_semaphore, #tpu.memory_space<semaphore_mem>>) src(%arg11 : memref<80x64xf32, #tpu.memory_space<vmem>>) dst(%dma_wait3A_281 : memref<10000x64xf32, #tpu.memory_space<vmem_shared>>)
      %add3A_282 = arith.constant 4 : i32
      %add3A_283 = arith.addi %mul3A_137, %add3A_282 : i32
      %add3A_284 = arith.constant 5 : i32
      %add3A_285 = arith.addi %add3A_283, %add3A_284 : i32
      %mul3A_286 = arith.constant 80 : i32
      %mul3A_287 = arith.muli %add3A_285, %mul3A_286 : i32
      %multiple_of3A_288 = tpu.assume_multiple %mul3A_287, 80 : i32
      %dma_start3A_289 = tpu.memref_slice %arg5[%multiple_of3A_288] : memref<10000xi32, #tpu.memory_space<vmem>> -> memref<80xi32, #tpu.memory_space<vmem>>
      %dma_start3A_290 = arith.constant 0 : i32
      %dma_start3A_291 = arith.constant 0 : i32
      %dma_start3A_292 = tpu.memref_slice %arg3[%dma_start3A_290, %dma_start3A_291] : memref<10000x64xf32, #tpu.memory_space<hbm>> -> memref<10000x64xf32, #tpu.memory_space<hbm>>
      tpu.enqueue_indirect_dma source(%dma_start3A_292 : memref<10000x64xf32, #tpu.memory_space<hbm>>) target(%arg11 : memref<80x64xf32, #tpu.memory_space<vmem>>) offsets(%dma_start3A_289 : memref<80xi32, #tpu.memory_space<vmem>>) semaphore(%arg17 : memref<!tpu.dma_semaphore, #tpu.memory_space<semaphore_mem>>)
    }
    %scan3A_39 = arith.constant 24 : i32
    %dma_wait3A = arith.constant 0 : i32
    %dma_wait3A_40 = arith.constant 0 : i32
    %dma_wait3A_41 = tpu.memref_slice %arg3[%dma_wait3A, %dma_wait3A_40] : memref<10000x64xf32, #tpu.memory_space<hbm>> -> memref<80x64xf32, #tpu.memory_space<hbm>>
    %dma_wait3A_42 = arith.constant 0 : i32
    %dma_wait3A_43 = arith.constant 0 : i32
    %dma_wait3A_44 = tpu.memref_slice %arg3[%dma_wait3A_42, %dma_wait3A_43] : memref<10000x64xf32, #tpu.memory_space<hbm>> -> memref<80x64xf32, #tpu.memory_space<hbm>>
    tpu.wait_dma2 semaphore(%arg13 : memref<!tpu.dma_semaphore, #tpu.memory_space<semaphore_mem>>) src(%dma_wait3A_44 : memref<80x64xf32, #tpu.memory_space<hbm>>) dst(%arg7 : memref<80x64xf32, #tpu.memory_space<vmem>>)
    %multiple_of3A_45 = arith.constant 9600 : i32
    %multiple_of3A_46 = tpu.assume_multiple %multiple_of3A_45, 80 : i32
    %dma_start3A_47 = tpu.memref_slice %arg6[%multiple_of3A_46] : memref<10000xi32, #tpu.memory_space<vmem>> -> memref<80xi32, #tpu.memory_space<vmem>>
    %dma_start3A_48 = arith.constant 0 : i32
    %dma_start3A_49 = arith.constant 0 : i32
    %dma_start3A_50 = tpu.memref_slice %arg12[%dma_start3A_48, %dma_start3A_49] : memref<10000x64xf32, #tpu.memory_space<vmem_shared>> -> memref<10000x64xf32, #tpu.memory_space<vmem_shared>>
    tpu.enqueue_indirect_dma source(%arg7 : memref<80x64xf32, #tpu.memory_space<vmem>>) target(%dma_start3A_50 : memref<10000x64xf32, #tpu.memory_space<vmem_shared>>) offsets(%dma_start3A_47 : memref<80xi32, #tpu.memory_space<vmem>>) semaphore(%arg18 : memref<!tpu.dma_semaphore, #tpu.memory_space<semaphore_mem>>) {add = true}
    %dma_wait3A_51 = arith.constant 0 : i32
    %dma_wait3A_52 = tpu.memref_slice %arg6[%dma_wait3A_51] : memref<10000xi32, #tpu.memory_space<vmem>> -> memref<80xi32, #tpu.memory_space<vmem>>
    %dma_wait3A_53 = arith.constant 0 : i32
    %dma_wait3A_54 = arith.constant 0 : i32
    %dma_wait3A_55 = tpu.memref_slice %arg12[%dma_wait3A_53, %dma_wait3A_54] : memref<10000x64xf32, #tpu.memory_space<vmem_shared>> -> memref<10000x64xf32, #tpu.memory_space<vmem_shared>>
    tpu.wait_indirect_dma semaphore(%arg18 : memref<!tpu.dma_semaphore, #tpu.memory_space<semaphore_mem>>) src(%arg7 : memref<80x64xf32, #tpu.memory_space<vmem>>) dst(%dma_wait3A_55 : memref<10000x64xf32, #tpu.memory_space<vmem_shared>>)
    %dma_wait3A_56 = arith.constant 0 : i32
    %dma_wait3A_57 = arith.constant 0 : i32
    %dma_wait3A_58 = tpu.memref_slice %arg3[%dma_wait3A_56, %dma_wait3A_57] : memref<10000x64xf32, #tpu.memory_space<hbm>> -> memref<80x64xf32, #tpu.memory_space<hbm>>
    %dma_wait3A_59 = arith.constant 0 : i32
    %dma_wait3A_60 = arith.constant 0 : i32
    %dma_wait3A_61 = tpu.memref_slice %arg3[%dma_wait3A_59, %dma_wait3A_60] : memref<10000x64xf32, #tpu.memory_space<hbm>> -> memref<80x64xf32, #tpu.memory_space<hbm>>
    tpu.wait_dma2 semaphore(%arg14 : memref<!tpu.dma_semaphore, #tpu.memory_space<semaphore_mem>>) src(%dma_wait3A_61 : memref<80x64xf32, #tpu.memory_space<hbm>>) dst(%arg8 : memref<80x64xf32, #tpu.memory_space<vmem>>)
    %multiple_of3A_62 = arith.constant 9680 : i32
    %multiple_of3A_63 = tpu.assume_multiple %multiple_of3A_62, 80 : i32
    %dma_start3A_64 = tpu.memref_slice %arg6[%multiple_of3A_63] : memref<10000xi32, #tpu.memory_space<vmem>> -> memref<80xi32, #tpu.memory_space<vmem>>
    %dma_start3A_65 = arith.constant 0 : i32
    %dma_start3A_66 = arith.constant 0 : i32
    %dma_start3A_67 = tpu.memref_slice %arg12[%dma_start3A_65, %dma_start3A_66] : memref<10000x64xf32, #tpu.memory_space<vmem_shared>> -> memref<10000x64xf32, #tpu.memory_space<vmem_shared>>
    tpu.enqueue_indirect_dma source(%arg8 : memref<80x64xf32, #tpu.memory_space<vmem>>) target(%dma_start3A_67 : memref<10000x64xf32, #tpu.memory_space<vmem_shared>>) offsets(%dma_start3A_64 : memref<80xi32, #tpu.memory_space<vmem>>) semaphore(%arg19 : memref<!tpu.dma_semaphore, #tpu.memory_space<semaphore_mem>>) {add = true}
    %dma_wait3A_68 = arith.constant 0 : i32
    %dma_wait3A_69 = tpu.memref_slice %arg6[%dma_wait3A_68] : memref<10000xi32, #tpu.memory_space<vmem>> -> memref<80xi32, #tpu.memory_space<vmem>>
    %dma_wait3A_70 = arith.constant 0 : i32
    %dma_wait3A_71 = arith.constant 0 : i32
    %dma_wait3A_72 = tpu.memref_slice %arg12[%dma_wait3A_70, %dma_wait3A_71] : memref<10000x64xf32, #tpu.memory_space<vmem_shared>> -> memref<10000x64xf32, #tpu.memory_space<vmem_shared>>
    tpu.wait_indirect_dma semaphore(%arg19 : memref<!tpu.dma_semaphore, #tpu.memory_space<semaphore_mem>>) src(%arg8 : memref<80x64xf32, #tpu.memory_space<vmem>>) dst(%dma_wait3A_72 : memref<10000x64xf32, #tpu.memory_space<vmem_shared>>)
    %dma_wait3A_73 = arith.constant 0 : i32
    %dma_wait3A_74 = arith.constant 0 : i32
    %dma_wait3A_75 = tpu.memref_slice %arg3[%dma_wait3A_73, %dma_wait3A_74] : memref<10000x64xf32, #tpu.memory_space<hbm>> -> memref<80x64xf32, #tpu.memory_space<hbm>>
    %dma_wait3A_76 = arith.constant 0 : i32
    %dma_wait3A_77 = arith.constant 0 : i32
    %dma_wait3A_78 = tpu.memref_slice %arg3[%dma_wait3A_76, %dma_wait3A_77] : memref<10000x64xf32, #tpu.memory_space<hbm>> -> memref<80x64xf32, #tpu.memory_space<hbm>>
    tpu.wait_dma2 semaphore(%arg15 : memref<!tpu.dma_semaphore, #tpu.memory_space<semaphore_mem>>) src(%dma_wait3A_78 : memref<80x64xf32, #tpu.memory_space<hbm>>) dst(%arg9 : memref<80x64xf32, #tpu.memory_space<vmem>>)
    %multiple_of3A_79 = arith.constant 9760 : i32
    %multiple_of3A_80 = tpu.assume_multiple %multiple_of3A_79, 80 : i32
    %dma_start3A_81 = tpu.memref_slice %arg6[%multiple_of3A_80] : memref<10000xi32, #tpu.memory_space<vmem>> -> memref<80xi32, #tpu.memory_space<vmem>>
    %dma_start3A_82 = arith.constant 0 : i32
    %dma_start3A_83 = arith.constant 0 : i32
    %dma_start3A_84 = tpu.memref_slice %arg12[%dma_start3A_82, %dma_start3A_83] : memref<10000x64xf32, #tpu.memory_space<vmem_shared>> -> memref<10000x64xf32, #tpu.memory_space<vmem_shared>>
    tpu.enqueue_indirect_dma source(%arg9 : memref<80x64xf32, #tpu.memory_space<vmem>>) target(%dma_start3A_84 : memref<10000x64xf32, #tpu.memory_space<vmem_shared>>) offsets(%dma_start3A_81 : memref<80xi32, #tpu.memory_space<vmem>>) semaphore(%arg20 : memref<!tpu.dma_semaphore, #tpu.memory_space<semaphore_mem>>) {add = true}
    %dma_wait3A_85 = arith.constant 0 : i32
    %dma_wait3A_86 = tpu.memref_slice %arg6[%dma_wait3A_85] : memref<10000xi32, #tpu.memory_space<vmem>> -> memref<80xi32, #tpu.memory_space<vmem>>
    %dma_wait3A_87 = arith.constant 0 : i32
    %dma_wait3A_88 = arith.constant 0 : i32
    %dma_wait3A_89 = tpu.memref_slice %arg12[%dma_wait3A_87, %dma_wait3A_88] : memref<10000x64xf32, #tpu.memory_space<vmem_shared>> -> memref<10000x64xf32, #tpu.memory_space<vmem_shared>>
    tpu.wait_indirect_dma semaphore(%arg20 : memref<!tpu.dma_semaphore, #tpu.memory_space<semaphore_mem>>) src(%arg9 : memref<80x64xf32, #tpu.memory_space<vmem>>) dst(%dma_wait3A_89 : memref<10000x64xf32, #tpu.memory_space<vmem_shared>>)
    %dma_wait3A_90 = arith.constant 0 : i32
    %dma_wait3A_91 = arith.constant 0 : i32
    %dma_wait3A_92 = tpu.memref_slice %arg3[%dma_wait3A_90, %dma_wait3A_91] : memref<10000x64xf32, #tpu.memory_space<hbm>> -> memref<80x64xf32, #tpu.memory_space<hbm>>
    %dma_wait3A_93 = arith.constant 0 : i32
    %dma_wait3A_94 = arith.constant 0 : i32
    %dma_wait3A_95 = tpu.memref_slice %arg3[%dma_wait3A_93, %dma_wait3A_94] : memref<10000x64xf32, #tpu.memory_space<hbm>> -> memref<80x64xf32, #tpu.memory_space<hbm>>
    tpu.wait_dma2 semaphore(%arg16 : memref<!tpu.dma_semaphore, #tpu.memory_space<semaphore_mem>>) src(%dma_wait3A_95 : memref<80x64xf32, #tpu.memory_space<hbm>>) dst(%arg10 : memref<80x64xf32, #tpu.memory_space<vmem>>)
    %multiple_of3A_96 = arith.constant 9840 : i32
    %multiple_of3A_97 = tpu.assume_multiple %multiple_of3A_96, 80 : i32
    %dma_start3A_98 = tpu.memref_slice %arg6[%multiple_of3A_97] : memref<10000xi32, #tpu.memory_space<vmem>> -> memref<80xi32, #tpu.memory_space<vmem>>
    %dma_start3A_99 = arith.constant 0 : i32
    %dma_start3A_100 = arith.constant 0 : i32
    %dma_start3A_101 = tpu.memref_slice %arg12[%dma_start3A_99, %dma_start3A_100] : memref<10000x64xf32, #tpu.memory_space<vmem_shared>> -> memref<10000x64xf32, #tpu.memory_space<vmem_shared>>
    tpu.enqueue_indirect_dma source(%arg10 : memref<80x64xf32, #tpu.memory_space<vmem>>) target(%dma_start3A_101 : memref<10000x64xf32, #tpu.memory_space<vmem_shared>>) offsets(%dma_start3A_98 : memref<80xi32, #tpu.memory_space<vmem>>) semaphore(%arg21 : memref<!tpu.dma_semaphore, #tpu.memory_space<semaphore_mem>>) {add = true}
    %dma_wait3A_102 = arith.constant 0 : i32
    %dma_wait3A_103 = tpu.memref_slice %arg6[%dma_wait3A_102] : memref<10000xi32, #tpu.memory_space<vmem>> -> memref<80xi32, #tpu.memory_space<vmem>>
    %dma_wait3A_104 = arith.constant 0 : i32
    %dma_wait3A_105 = arith.constant 0 : i32
    %dma_wait3A_106 = tpu.memref_slice %arg12[%dma_wait3A_104, %dma_wait3A_105] : memref<10000x64xf32, #tpu.memory_space<vmem_shared>> -> memref<10000x64xf32, #tpu.memory_space<vmem_shared>>
    tpu.wait_indirect_dma semaphore(%arg21 : memref<!tpu.dma_semaphore, #tpu.memory_space<semaphore_mem>>) src(%arg10 : memref<80x64xf32, #tpu.memory_space<vmem>>) dst(%dma_wait3A_106 : memref<10000x64xf32, #tpu.memory_space<vmem_shared>>)
    %dma_wait3A_107 = arith.constant 0 : i32
    %dma_wait3A_108 = arith.constant 0 : i32
    %dma_wait3A_109 = tpu.memref_slice %arg3[%dma_wait3A_107, %dma_wait3A_108] : memref<10000x64xf32, #tpu.memory_space<hbm>> -> memref<80x64xf32, #tpu.memory_space<hbm>>
    %dma_wait3A_110 = arith.constant 0 : i32
    %dma_wait3A_111 = arith.constant 0 : i32
    %dma_wait3A_112 = tpu.memref_slice %arg3[%dma_wait3A_110, %dma_wait3A_111] : memref<10000x64xf32, #tpu.memory_space<hbm>> -> memref<80x64xf32, #tpu.memory_space<hbm>>
    tpu.wait_dma2 semaphore(%arg17 : memref<!tpu.dma_semaphore, #tpu.memory_space<semaphore_mem>>) src(%dma_wait3A_112 : memref<80x64xf32, #tpu.memory_space<hbm>>) dst(%arg11 : memref<80x64xf32, #tpu.memory_space<vmem>>)
    %multiple_of3A_113 = arith.constant 9920 : i32
    %multiple_of3A_114 = tpu.assume_multiple %multiple_of3A_113, 80 : i32
    %dma_start3A_115 = tpu.memref_slice %arg6[%multiple_of3A_114] : memref<10000xi32, #tpu.memory_space<vmem>> -> memref<80xi32, #tpu.memory_space<vmem>>
    %dma_start3A_116 = arith.constant 0 : i32
    %dma_start3A_117 = arith.constant 0 : i32
    %dma_start3A_118 = tpu.memref_slice %arg12[%dma_start3A_116, %dma_start3A_117] : memref<10000x64xf32, #tpu.memory_space<vmem_shared>> -> memref<10000x64xf32, #tpu.memory_space<vmem_shared>>
    tpu.enqueue_indirect_dma source(%arg11 : memref<80x64xf32, #tpu.memory_space<vmem>>) target(%dma_start3A_118 : memref<10000x64xf32, #tpu.memory_space<vmem_shared>>) offsets(%dma_start3A_115 : memref<80xi32, #tpu.memory_space<vmem>>) semaphore(%arg22 : memref<!tpu.dma_semaphore, #tpu.memory_space<semaphore_mem>>) {add = true}
    %dma_wait3A_119 = arith.constant 0 : i32
    %dma_wait3A_120 = tpu.memref_slice %arg6[%dma_wait3A_119] : memref<10000xi32, #tpu.memory_space<vmem>> -> memref<80xi32, #tpu.memory_space<vmem>>
    %dma_wait3A_121 = arith.constant 0 : i32
    %dma_wait3A_122 = arith.constant 0 : i32
    %dma_wait3A_123 = tpu.memref_slice %arg12[%dma_wait3A_121, %dma_wait3A_122] : memref<10000x64xf32, #tpu.memory_space<vmem_shared>> -> memref<10000x64xf32, #tpu.memory_space<vmem_shared>>
    tpu.wait_indirect_dma semaphore(%arg22 : memref<!tpu.dma_semaphore, #tpu.memory_space<semaphore_mem>>) src(%arg11 : memref<80x64xf32, #tpu.memory_space<vmem>>) dst(%dma_wait3A_123 : memref<10000x64xf32, #tpu.memory_space<vmem_shared>>)
    %barrier3A_124 = arith.constant 0 : index
    tpu.barrier barrier_id(%barrier3A_124)
    %mul3A_125 = arith.constant 10000 : i32
    %mul3A_126 = arith.muli %arg0, %mul3A_125 : i32
    %mul3A_127 = arith.constant 1000 : i32
    %mul3A_128 = arith.muli %arg1, %mul3A_127 : i32
    %add3A_129 = arith.addi %mul3A_126, %mul3A_128 : i32
    %lt3A_130 = arith.constant 10 : i32
    %lt3A_131 = arith.cmpi slt, %arg1, %lt3A_130 : i32
    %convert_element_type3A_132 = arith.extui %lt3A_131 : i1 to i32
    %cond3A_133 = arith.constant 0 : i32
    %cond3A_134 = arith.cmpi ne, %convert_element_type3A_132, %cond3A_133 : i32
    scf.if %cond3A_134 {
      "tpu.region"() ({
        %run_scoped3A_135 = tpu.sem_alloc : memref<!tpu.dma_semaphore, #tpu.memory_space<semaphore_mem>>
        %dma_start3A_136 = arith.constant 0 : i32
        %dma_start3A_137 = tpu.memref_slice %arg4[%add3A_129, %dma_start3A_136] : memref<20000x64xf32, #tpu.memory_space<hbm>> -> memref<1000x64xf32, #tpu.memory_space<hbm>>
        %dma_start3A_138 = arith.constant 0 : i32
        %dma_start3A_139 = tpu.memref_slice %arg12[%mul3A_5, %dma_start3A_138] : memref<10000x64xf32, #tpu.memory_space<vmem_shared>> -> memref<1000x64xf32, #tpu.memory_space<vmem_shared>>
        tpu.enqueue_dma source(%dma_start3A_139 : memref<1000x64xf32, #tpu.memory_space<vmem_shared>>) target(%dma_start3A_137 : memref<1000x64xf32, #tpu.memory_space<hbm>>) target_semaphore(%run_scoped3A_135 : memref<!tpu.dma_semaphore, #tpu.memory_space<semaphore_mem>>)
        %dma_wait3A_140 = arith.constant 0 : i32
        %dma_wait3A_141 = tpu.memref_slice %arg4[%add3A_129, %dma_wait3A_140] : memref<20000x64xf32, #tpu.memory_space<hbm>> -> memref<1000x64xf32, #tpu.memory_space<hbm>>
        %dma_wait3A_142 = arith.constant 0 : i32
        %dma_wait3A_143 = tpu.memref_slice %arg12[%mul3A_5, %dma_wait3A_142] : memref<10000x64xf32, #tpu.memory_space<vmem_shared>> -> memref<1000x64xf32, #tpu.memory_space<vmem_shared>>
        tpu.wait_dma2 semaphore(%run_scoped3A_135 : memref<!tpu.dma_semaphore, #tpu.memory_space<semaphore_mem>>) src(%dma_wait3A_143 : memref<1000x64xf32, #tpu.memory_space<vmem_shared>>) dst(%dma_wait3A_141 : memref<1000x64xf32, #tpu.memory_space<hbm>>)
        tpu.yield
      }) : () -> ()
    } else {
    }
    return
  }
}

module attributes {stable_mosaic.version = 14 : i64} {
  func.func @_mm1_body(%arg0: memref<10000x128xf32, #tpu.memory_space<vmem>>, %arg1: memref<128x64xf32, #tpu.memory_space<vmem>>, %arg2: memref<10000x64xf32, #tpu.memory_space<vmem>>) attributes {dimension_semantics = [], scalar_prefetch = 0 : i64, scratch_operands = 0 : i64, tpu.core_type = #tpu.core_type<tc>} {
    %get3A = arith.constant 0 : index
    %get3A_0 = arith.constant 0 : index
    %get3A_1 = vector.load %arg0[%get3A, %get3A_0] : memref<10000x128xf32, #tpu.memory_space<vmem>>, vector<10000x128xf32>
    %get3A_2 = arith.constant 0 : index
    %get3A_3 = arith.constant 0 : index
    %get3A_4 = vector.load %arg1[%get3A_2, %get3A_3] : memref<128x64xf32, #tpu.memory_space<vmem>>, vector<128x64xf32>
    %dot_general3A = arith.constant dense<0.000000e+00> : vector<10000x64xf32>
    %dot_general3A_5 = tpu.matmul %get3A_1, %get3A_4, %dot_general3A {dimension_numbers = #tpu.dot_dimension_numbers<[1], [0], [0], [1], [0, 0, 1, 1], [], []>, transpose_lhs_hint = false} : vector<10000x128xf32>, vector<128x64xf32>, vector<10000x64xf32> -> vector<10000x64xf32>
    %swap3A = arith.constant 0 : index
    %swap3A_6 = arith.constant 0 : index
    %swap3A_7 = vector.load %arg2[%swap3A, %swap3A_6] : memref<10000x64xf32, #tpu.memory_space<vmem>>, vector<10000x64xf32>
    tpu.vector_store %arg2[%swap3A, %swap3A_6], %dot_general3A_5 {strides = array<i32>} : memref<10000x64xf32, #tpu.memory_space<vmem>>, vector<10000x64xf32>,
    return
  }
}

module attributes {stable_mosaic.version = 14 : i64} {
  func.func @_epilogue_body(%arg0: i32, %arg1: memref<10000x64xf32, #tpu.memory_space<vmem>>, %arg2: memref<10000x64xf32, #tpu.memory_space<vmem>>, %arg3: memref<10000x64xf32, #tpu.memory_space<vmem>>, %arg4: memref<1x64xf32, #tpu.memory_space<vmem>>, %arg5: memref<64x64xf32, #tpu.memory_space<vmem>>, %arg6: memref<1x64xf32, #tpu.memory_space<vmem>>, %arg7: memref<10000x64xf32, #tpu.memory_space<vmem>>) attributes {dimension_semantics = [#tpu.dimension_semantics<arbitrary>], iteration_bounds = array<i64: 1>, scalar_prefetch = 0 : i64, scratch_operands = 0 : i64, tpu.core_type = #tpu.core_type<tc>, window_params = [{pipeline_mode = #tpu.pipeline_mode<synchronous>, transform_indices = @transform_0, window_bounds = array<i64: 10000, 64>}, {transform_indices = @transform_1, window_bounds = array<i64: 10000, 64>}, {transform_indices = @transform_2, window_bounds = array<i64: 10000, 64>}, {pipeline_mode = #tpu.pipeline_mode<synchronous>, transform_indices = @transform_3, window_bounds = array<i64: 1, 64>}, {pipeline_mode = #tpu.pipeline_mode<synchronous>, transform_indices = @transform_4, window_bounds = array<i64: 64, 64>}, {pipeline_mode = #tpu.pipeline_mode<synchronous>, transform_indices = @transform_5, window_bounds = array<i64: 1, 64>}, {pipeline_mode = #tpu.pipeline_mode<synchronous>, transform_indices = @transform_6, window_bounds = array<i64: 10000, 64>}]} {
    %get3A = arith.constant 0 : index
    %get3A_0 = arith.constant 0 : index
    %get3A_1 = vector.load %arg1[%get3A, %get3A_0] : memref<10000x64xf32, #tpu.memory_space<vmem>>, vector<10000x64xf32>
    %get3A_2 = arith.constant 0 : index
    %get3A_3 = arith.constant 0 : index
    %get3A_4 = vector.load %arg2[%get3A_2, %get3A_3] : memref<10000x64xf32, #tpu.memory_space<vmem>>, vector<10000x64xf32>
    %add3A = arith.addf %get3A_1, %get3A_4 : vector<10000x64xf32>
    %get3A_5 = arith.constant 0 : index
    %get3A_6 = arith.constant 0 : index
    %get3A_7 = vector.load %arg3[%get3A_5, %get3A_6] : memref<10000x64xf32, #tpu.memory_space<vmem>>, vector<10000x64xf32>
    %add3A_8 = arith.addf %add3A, %get3A_7 : vector<10000x64xf32>
    %get3A_9 = arith.constant 0 : index
    %get3A_10 = arith.constant 0 : index
    %get3A_11 = vector.load %arg4[%get3A_9, %get3A_10] : memref<1x64xf32, #tpu.memory_space<vmem>>, vector<1x64xf32>
    %add3A_12 = vector.broadcast %get3A_11 : vector<1x64xf32> to vector<10000x64xf32>
    %add3A_13 = arith.addf %add3A_8, %add3A_12 : vector<10000x64xf32>
    %max3A = arith.constant 0.000000e+00 : f32
    %max3A_14 = vector.broadcast %max3A : f32 to vector<10000x64xf32>
    %max3A_15 = arith.maximumf %add3A_13, %max3A_14 : vector<10000x64xf32>
    %get3A_16 = arith.constant 0 : index
    %get3A_17 = arith.constant 0 : index
    %get3A_18 = vector.load %arg5[%get3A_16, %get3A_17] : memref<64x64xf32, #tpu.memory_space<vmem>>, vector<64x64xf32>
    %dot_general3A = arith.constant dense<0.000000e+00> : vector<10000x64xf32>
    %dot_general3A_19 = tpu.matmul %max3A_15, %get3A_18, %dot_general3A {dimension_numbers = #tpu.dot_dimension_numbers<[1], [0], [0], [1], [0, 0, 1, 1], [], []>, transpose_lhs_hint = false} : vector<10000x64xf32>, vector<64x64xf32>, vector<10000x64xf32> -> vector<10000x64xf32>
    %get3A_20 = arith.constant 0 : index
    %get3A_21 = arith.constant 0 : index
    %get3A_22 = vector.load %arg6[%get3A_20, %get3A_21] : memref<1x64xf32, #tpu.memory_space<vmem>>, vector<1x64xf32>
    %add3A_23 = vector.broadcast %get3A_22 : vector<1x64xf32> to vector<10000x64xf32>
    %add3A_24 = arith.addf %dot_general3A_19, %add3A_23 : vector<10000x64xf32>
    %swap3A = arith.constant 0 : index
    %swap3A_25 = arith.constant 0 : index
    %swap3A_26 = vector.load %arg7[%swap3A, %swap3A_25] : memref<10000x64xf32, #tpu.memory_space<vmem>>, vector<10000x64xf32>
    tpu.vector_store %arg7[%swap3A, %swap3A_25], %add3A_24 {strides = array<i32>} : memref<10000x64xf32, #tpu.memory_space<vmem>>, vector<10000x64xf32>,
    return
  }
  func.func @transform_0(%arg0: i32) -> (i32, i32) {
    %c0_i32 = arith.constant 0 : i32
    %c0_i32_0 = arith.constant 0 : i32
    %c0_i32_1 = arith.constant 0 : i32
    return %c0_i32, %c0_i32_0 : i32, i32
  }
  func.func @transform_1(%arg0: i32) -> (i32, i32) {
    %c0_i32 = arith.constant 0 : i32
    %c0_i32_0 = arith.constant 0 : i32
    %c0_i32_1 = arith.constant 0 : i32
    return %c0_i32, %c0_i32_0 : i32, i32
  }
  func.func @transform_2(%arg0: i32) -> (i32, i32) {
    %c1_i32 = arith.constant 1 : i32
    %c0_i32 = arith.constant 0 : i32
    %c0_i32_0 = arith.constant 0 : i32
    return %c1_i32, %c0_i32 : i32, i32
  }
  func.func @transform_3(%arg0: i32) -> (i32, i32) {
    %c0_i32 = arith.constant 0 : i32
    %c0_i32_0 = arith.constant 0 : i32
    %c0_i32_1 = arith.constant 0 : i32
    return %c0_i32, %c0_i32_0 : i32, i32
  }
  func.func @transform_4(%arg0: i32) -> (i32, i32) {
    %c0_i32 = arith.constant 0 : i32
    %c0_i32_0 = arith.constant 0 : i32
    %c0_i32_1 = arith.constant 0 : i32
    return %c0_i32, %c0_i32_0 : i32, i32
  }
  func.func @transform_5(%arg0: i32) -> (i32, i32) {
    %c0_i32 = arith.constant 0 : i32
    %c0_i32_0 = arith.constant 0 : i32
    %c0_i32_1 = arith.constant 0 : i32
    return %c0_i32, %c0_i32_0 : i32, i32
  }
  func.func @transform_6(%arg0: i32) -> (i32, i32) {
    %c0_i32 = arith.constant 0 : i32
    %c0_i32_0 = arith.constant 0 : i32
    %c0_i32_1 = arith.constant 0 : i32
    return %c0_i32, %c0_i32_0 : i32, i32
  }
}

</mosaic_0001>

<sc_bundles>
// kernel: kernel.5.cloned.1.call-start
scs
__scs_entry_jumppad:
0x0: {  	(pc) =	sbr.rel $0x88, $3  }
0x1: {  	(tag) =	ssettag $0x0;
	lr =	simm.s32 $0x1  }
0x2: {  	[smem:$0x3F9B] =	sst lr;
	_ =	strace $0xD0000000  }
0x3: {  	_ = 	snop  }
0x4: {  	_ = 	snop  }
0x5: {  	_ = 	snop  }
0x6: {  	_ = 	snop  }
0x7: {  	_ = 	snop  }
__scs_overlays_trampoline_lowered:
0x8: {  	[smem:$0x3FAA] =	sst s0  }
0x9: {  	[smem:$0x3FAB] =	sst s1  }
0xa: {  	[smem:$0x3FAC] =	sst s2  }
0xb: {  	[smem:$0x3FAD] =	sst s3  }
0xc: {  	[smem:$0x3FAE] =	sst s4  }
0xd: {  	[smem:$0x3FAF] =	sst s5  }
0xe: {  	[smem:$0x3FB0] =	sst s6  }
0xf: {  	[smem:$0x3FB1] =	sst s7  }
0x10: {  	[smem:$0x3FB2] =	sst s8  }
0x11: {  	[smem:$0x3FB3] =	sst s9;
	s0 =	simm.s32 @!p0 $0x0  }
0x12: {  	s1 =	sld [smem:$0x3F99];
	s0 =	simm.s32 @p0 $0x1  }
0x13: {  	[smem:$0x3FB4] =	sst s0;
	s0 =	simm.s32 @!p1 $0x0  }
0x14: {  	s2 =	sld [smem:$0x3F98];
	s0 =	simm.s32 @p1 $0x1  }
0x15: {  	[smem:$0x3FB5] =	sst s0;
	s0 =	simm.s32 @!p2 $0x0  }
0x16: {  	s3 =	sld [smem:$0x3FDB];
	s0 =	simm.s32 @p2 $0x1  }
0x17: {  	s4 =	simm.s32 $0x1BF5;
	[smem:$0x3FB7] =	sst s0  }
0x18: {  	s0 =	sld [smem:$0x3F9A];
	_ =	swait.ge [sflag:s4], $0x0  }
0x19: {  	s7 =	sld [smem:$0x3F9B]  }
0x1a: {  	s8 =	sadd.s32 $0xFFFFE003, lr  }
0x1b: {  	s9 =	sadd.s32 $0xFFFFFEF7, lr;
	s5 =	simm.s32 $0xFFFFFFFF;
	p2 =	slt.u32 s8, $0xFFFFF086  }
0x1c: {  	p1 =	slt.u32 s9, $0xF7A;
	s5 =	simm.s32 @!p2 $0x0  }
0x1d: {  	s5 =	simm.s32 @p1 $0x1;
	p0 =	seq.s32 s7, s2  }
0x1e: {  	s7 =	smul.u32 @!p0 $0xF7A, s2;
	p2 =	seq.s32 @!p0 s5, $0x0  }
0x1f: {  	s9 =	smul.u32 $0xF7A, s1;
	s8 =	simm.s32 @!p0 $0x1BF5;
	p2 =	por !p2, p0  }
0x20: {  	[sflag:s8] =	ssyncset.s32 @!p0 $0xFFFFF086;
	s6 =	sadd.s32 @!p0 s3, s7;
	s7 =	simm.s32 @!p0 $0x108  }
0x21: {  	s3 =	sadd.s32 s3, s9;
	s6 =	sadd.s32 @!p0 $0x88, s6;
	s7 =	simm.s32 @p2 $0x1082  }
0x22: {  	[simem:s7], [sflag:s8] =	dma.local @!p0 [hbm:s6], $0xF7A  }
0x23: {  	s9 =	sor.u32 $0xD0000000, s2;
	s6 =	simm.s32 $0x108;
	_ =	swait.ge @!p0 [sflag:s8], $0x0  }
0x24: {  	s3 =	sadd.s32 $0x88, s3;
	s6 =	simm.s32 @!p1 $0x1082;
	[sflag:s4] =	ssyncset.s32 $0xFFFFF086  }
0x25: {  	[simem:s6], [sflag:s4] =	dma.local [hbm:s3], $0xF7A  }
0x26: {  	[smem:$0x3F9B] =	sst s1;
	(tag) =	ssettag s2;
	_ =	strace s9  }
0x27: {  	s1 =	sld [smem:$0x3FAB]  }
0x28: {  	s2 =	sld [smem:$0x3FAC]  }
0x29: {  	s4 =	sld [smem:$0x3FAE]  }
0x2a: {  	p0 =	seq.s32 s5, $0x0;
	s5 =	sld [smem:$0x3FAF]  }
0x2b: {  	s6 =	sld [smem:$0x3FB0]  }
0x2c: {  	s7 =	sld [smem:$0x3FB1]  }
0x2d: {  	s3 =	simm.s32 $0x108;
	s8 =	sld [smem:$0x3FB2]  }
0x2e: {  	s3 =	simm.s32 @!p0 $0x1082;
	s9 =	sld [smem:$0x3FB3]  }
0x2f: {  	lr =	sadd.s32 s0, s3;
	s0 =	sld [smem:$0x3FAA]  }
0x30: {  	s3 =	sld [smem:$0x3FAD]  }
0x31: {  	[smem:$0x3FB6] =	sst s10  }
0x32: {  	s10 =	sld [smem:$0x3FB4];
	_ =	sdelay $0x3  }
0x33: {  	p0 =	seq.s32 s10, $0x1;
	s10 =	sld [smem:$0x3FB6];
	_ =	sdelay $0x3  }
0x34: {  	[smem:$0x3FB6] =	sst s10  }
0x35: {  	s10 =	sld [smem:$0x3FB5];
	_ =	sdelay $0x3  }
0x36: {  	p1 =	seq.s32 s10, $0x1;
	s10 =	sld [smem:$0x3FB6];
	_ =	sdelay $0x3  }
0x37: {  	[smem:$0x3FB6] =	sst s10  }
0x38: {  	s10 =	sld [smem:$0x3FB7]  }
0x39: {  	_ = 	snop;
	(pc) =	sbr.ind lr, $3  }
0x3a: {  	_ = 	snop  }
0x3b: {  	_ = 	snop  }
0x3c: {  	p2 =	seq.s32 s10, $0x1;
	s10 =	sld [smem:$0x3FB6]  }
0x3d: {  	_ =	shalt  }
0x3e: {  	_ =	shalt  }
0x3f: {  	_ =	shalt  }
0x40: {  	_ =	shalt  }
0x41: {  	_ =	shalt  }
0x42: {  	_ =	shalt  }
0x43: {  	_ =	shalt  }
0x44: {  	_ =	shalt  }
0x45: {  	_ =	shalt  }
0x46: {  	_ =	shalt  }
0x47: {  	_ =	shalt  }
0x48: {  	_ =	shalt  }
0x49: {  	_ =	shalt  }
0x4a: {  	_ =	shalt  }
0x4b: {  	_ =	shalt  }
0x4c: {  	_ =	shalt  }
0x4d: {  	_ =	shalt  }
0x4e: {  	_ =	shalt  }
0x4f: {  	_ =	shalt  }
0x50: {  	_ =	shalt  }
0x51: {  	_ =	shalt  }
0x52: {  	_ =	shalt  }
0x53: {  	_ =	shalt  }
0x54: {  	_ =	shalt  }
0x55: {  	_ =	shalt  }
0x56: {  	_ =	shalt  }
0x57: {  	_ =	shalt  }
0x58: {  	_ =	shalt  }
0x59: {  	_ =	shalt  }
0x5a: {  	_ =	shalt  }
0x5b: {  	_ =	shalt  }
0x5c: {  	_ =	shalt  }
0x5d: {  	_ =	shalt  }
0x5e: {  	_ =	shalt  }
0x5f: {  	_ =	shalt  }
0x60: {  	_ =	shalt  }
0x61: {  	_ =	shalt  }
0x62: {  	_ =	shalt  }
0x63: {  	_ =	shalt  }
0x64: {  	_ =	shalt  }
0x65: {  	_ =	shalt  }
0x66: {  	_ =	shalt  }
0x67: {  	_ =	shalt  }
0x68: {  	_ =	shalt  }
0x69: {  	_ =	shalt  }
0x6a: {  	_ =	shalt  }
0x6b: {  	_ =	shalt  }
0x6c: {  	_ =	shalt  }
0x6d: {  	_ =	shalt  }
0x6e: {  	_ =	shalt  }
0x6f: {  	_ =	shalt  }
0x70: {  	_ =	shalt  }
0x71: {  	_ =	shalt  }
0x72: {  	_ =	shalt  }
0x73: {  	_ =	shalt  }
0x74: {  	_ =	shalt  }
0x75: {  	_ =	shalt  }
0x76: {  	_ =	shalt  }
0x77: {  	_ =	shalt  }
0x78: {  	_ =	shalt  }
0x79: {  	_ =	shalt  }
0x7a: {  	_ =	shalt  }
0x7b: {  	_ =	shalt  }
0x7c: {  	_ =	shalt  }
0x7d: {  	_ =	shalt  }
0x7e: {  	_ =	shalt  }
0x7f: {  	_ =	shalt  }
0x80: {  	_ =	shalt  }
0x81: {  	_ =	shalt  }
0x82: {  	_ =	shalt  }
0x83: {  	_ =	shalt  }
0x84: {  	_ =	shalt  }
0x85: {  	_ =	shalt  }
0x86: {  	_ =	shalt  }
0x87: {  	_ =	shalt  }
.Lfunc_end0:
.L_simem_size_0:
called_computation_lowered:
.L_overlay_start_0:
0x88: {  	s2 =	sld [smem:$0x3FD9]  }
0x89: {  	s3 =	sld [smem:$0x3FFE];
	_ =	sdelay $0x1  }
0x8a: {  	s1 =	srdreg.scid  }
0x8b: {  	s0 =	sand.u32 $0x1, s1  }
0x8c: {  	s17 =	sshll.u32 s0, $0xA;
	s2 =	sadd.s32 s3, s2  }
0x8d: {  	s2 =	sadd.s32 s2, s17  }
0x8e: {  	[smem:$0x3FC2] =	sst s2  }
0x8f: {  	_ = 	snop  }
0x90: {  	s2 =	sld [smem:$0x3FD0];
	(tm) =	ssettm $0x1  }
0x91: {  	s18 =	sld [smem:$0x3FFB];
	_ =	sdelay $0x3  }
0x92: {  	_ =	strace s18  }
0x93: {  	s3 =	sld [smem:$0x3FFC];
	_ =	sdelay $0x3  }
0x94: {  	_ =	strace s3  }
0x95: {  	s3 =	sld [smem:$0x3FFD];
	_ =	sdelay $0x3  }
0x96: {  	_ =	strace s3  }
0x97: {  	_ =	strace $0x8FFFFFFF  }
0x98: {  	s19 =	sld [smem:$0x3FDB];
	_ =	sdelay $0x1  }
0x99: {  	s4 =	simm.s32 $_scs_section_size  }
0x9a: {  	s5 =	simm.s32 $_size__tile_overlayer_lowered;
	s6 =	simm.s32 $_tile_overlayer_lowered  }
0x9b: {  	s22 =	simm.s32 $0x1BFF;
	s21 =	sshll.u32 s6, $0x1;
	s3 =	sadd.s32 s4, s19  }
0x9c: {  	s7 =	simm.s32 $0x0;
	s20 =	sshll.u32 s5, $0x1;
	s5 =	sadd.s32 s21, s3  }
0x9d: {  	[timem:s7], [sflag:s22] =	dma.local [hbm:s5], s20  }
0x9e: {  	_ =	swait.ge [sflag:s22], s20  }
0x9f: {  	s4 =	ssub.s32 $0x0, s20;
	[sflag:s22] =	ssyncset.done $0x0  }
0xa0: {  	[sflag:s22] =	ssyncadd.s32 s4;
	_ =	sdelay $0x1  }
0xa1: {  	s23 =	simm.s32 $0x1B8B  }
0xa2: {  	_ =	swait.ge [sflag:s23], $0x1  }
0xa3: {  	[sflag:s23] =	ssyncset.done $0x0  }
0xa4: {  	s25 =	simm.s32 $0x1B8E;
	s24 =	sld [smem:$0x3FFE];
	[sflag:s23] =	ssyncadd.s32 $0xFFFFFFFF  }
0xa5: {  	s26 =	simm.s32 $execute0_lowered;
	[smem:$0x3FD2] =	sst s25  }
0xa6: {  	s5 =	sshll.u32 s26, $0x1;
	_ =	strace $0x80000046;
	[dreg:$0x1] =	wrdreg $0xFFFFFFFF  }
0xa7: {  	s28 =	simm.s32 $_size_execute0_lowered;
	s3 =	sadd.s32 s3, s5;
	[dreg:$0x0] =	wrdreg $0x0  }
0xa8: {  	s5 =	sshll.u32 s28, $0x1;
	[dreg:$0x2] =	wrdreg s3  }
0xa9: {  	[dreg:$0x3] =	wrdreg s5  }
0xaa: {  	[dreg:$0x4] =	wrdreg $0xC0  }
0xab: {  	_ =	task [dreg:s7], $0x5FFFF  }
0xac: {  	[dreg:$0x1] =	wrdreg $0xFFFFFFFF  }
0xad: {  	[dreg:$0x0] =	wrdreg $0x60  }
0xae: {  	[dreg:$0x2] =	wrdreg s2  }
0xaf: {  	[dreg:$0x3] =	wrdreg s24  }
0xb0: {  	[dreg:$0x4] =	wrdreg $0xB2200  }
0xb1: {  	[dreg:$0x5] =	wrdreg $0x9  }
0xb2: {  	_ =	task.clear_ibuf [dreg:s7], $0x6FFFF;
	_ =	strace $0x90000046  }
0xb3: {  	s29 =	simm.s32 $0x9;
	_ =	strace $0x80000048  }
0xb4: {  	_ =	swait.ge [sflag:s29], $0x1  }
0xb5: {  	[sflag:s29] =	ssyncadd.s32 $0xFFFFFFFF  }
0xb6: {  	_ =	strace $0x90000048  }
0xb7: {  	_ =	sfence  }
0xb8: {  	s30 =	sld [smem:$0x0];
	_ =	sdelay $0x2  }
0xb9: {  	s31 =	sshll.u32 s1, $0xD;
	s1 =	sshrl.u32 s1, $0x2  }
0xba: {  	s3 =	sand.u32 $0x4000, s31;
	s1 =	sadd.s32 s1, s30  }
0xbb: {  	s0 =	sor.u32 s3, s0;
	s1 =	sshll.u32 s1, $0x11  }
0xbc: {  	s0 =	sor.u32 s1, s0  }
0xbd: {  	s0 =	sadd.s32 $0x8F2B, s0  }
0xbe: {  	[sflag:s0] =	ssyncadd.remote.s32 $0x1  }
0xbf: {  	_ =	sfence.sel $0xFFFF  }
0xc0: {  	[dreg:$0x0] =	wrdreg $0xFFFFFFFF;
	(pc) =	sbr.abs _section_cstart, $3  }
0xc1: {  	[dreg:$0x1] =	wrdreg $0xFFFFFFFF  }
0xc2: {  	_ =	task.clear_ibuf [dreg:s7], $0x2FFFF;
	_ =	strace $0x9FFFFFFF  }
0xc3: {  	(tm) =	ssettm $0x7FFFFFFF  }
tec
execute0_lowered:
.L_overlay_start_1:
0x0: {  	(tag) =	ssettag $0x1  }
0x1: {  	s0 =	rddreg [dreg:$0x0]  }
0x2: {  	s1 =	rddreg [dreg:$0x1]  }
0x3: {  	s2 =	rddreg [dreg:$0x2];
	s9 =	stileid.u32  }
0x4: {  	s3 =	srdreg.scid;
	s29 =	simm.s32 $0x7620;
	s6 =	smul.u32 $0x1F40, s9  }
0x5: {  	s31 =	simm.s32 $0x8A20;
	s5 =	sand.u32 $0x1, s3;
	s12 =	smul.u32 $0x3E800, s9  }
0x6: {  	s10 =	simm.s32 $0x6;
	s11 =	simm.s32 $0x2;
	s7 =	smul.u32 $0x13880, s5  }
0x7: {  	s30 =	simm.s32 $0x4D80;
	s3 =	simm.s32 $0x0;
	s16 =	sshrl.u32 s12, $0x2  }
0x8: {  	p0 =	sgt.u32 s9, $0x9;
	s6 =	sadd.s32 s6, s7;
	s7 =	sadd.s32 s16, s2  }
0x9: {  	s4 =	sshll.u32 s5, $0x4;
	[smem:$0x7FF] =	sst s3;
	s17 =	sadd.s32 $0x2800, s7  }
0xa: {  	_ =	strace $0x80000047;
	s18 =	sadd.s32 $0x3C00, s7;
	[dreg:$0x5] =	wrdreg s17  }
0xb: {  	s13 =	ssub.s32 $0x2, s5;
	s19 =	sadd.s32 $0x5000, s7;
	[dreg:$0x6] =	wrdreg s18  }
0xc: {  	s4 =	sor.u32 s9, s4;
	s20 =	sadd.s32 $0x6400, s7;
	[dreg:$0x7] =	wrdreg s19  }
0xd: {  	s15 =	sshrl.u32 s13, $0x1;
	s21 =	sadd.s32 $0x7800, s7;
	[dreg:$0x8] =	wrdreg s20  }
0xe: {  	s9 =	simm.s32 $0x1;
	s22 =	sadd.s32 $0x8C00, s7;
	[dreg:$0x9] =	wrdreg s21  }
0xf: {  	s12 =	simm.s32 $0x7;
	s23 =	sadd.s32 $0xA000, s7;
	[dreg:$0xa] =	wrdreg s22  }
0x10: {  	s8 =	smul.u32 $0x2710, s4;
	s24 =	sadd.s32 $0xB400, s7;
	[dreg:$0xb] =	wrdreg s23  }
0x11: {  	s4 =	sadd.s32 $0xC00, s1;
	s25 =	sadd.s32 $0xC800, s7;
	[dreg:$0xc] =	wrdreg s24  }
0x12: {  	s16 =	simm.s32 $0x5;
	s26 =	sadd.s32 $0xDC00, s7;
	[dreg:$0xd] =	wrdreg s25  }
0x13: {  	s1 =	sadd.s32 s6, s1;
	s28 =	sadd.s32 $0xF000, s7;
	[dreg:$0xe] =	wrdreg s26  }
0x14: {  	s14 =	sshrl.u32 s8, $0x3;
	s8 =	ssub.s32 s13, s15;
	[dreg:$0xf] =	wrdreg s28  }
0x15: {  	s20 =	sadd.s32 $0x14600, s1;
	s22 =	simm.s32 $0xB;
	s24 =	simm.s32 $0x4E20  }
0x16: {  	s25 =	simm.s32 $0x50;
	s26 =	simm.s32 $0x6220;
	s13 =	simm.s32 $0x3  }
0x17: {  	s23 =	simm.s32 $0x8;
	s15 =	simm.s32 $0x9;
	s17 =	simm.s32 $0xA  }
0x18: {  	s1 =	simm.s32 $0x0;
	s5 =	sadd.s32 s0, s14;
	s0 =	sadd.s32 $0x1400, s7  }
0x19: {  	s21 =	smax.u32 s8, $0x1;
	s8 =	simm.s32 $0x9E20;
	s14 =	simm.s32 $0x4  }
0x1a: {  	v0 =	vimm.f32 $0.0e+00;
	s6 =	sadd.s32 $0x9C40, s5;
	[dreg:$0x4] =	wrdreg s0;
	s0 =	simm.s32 $0x4DD0  }
.LBB2_1:
0x1b: {  	[tilespmem:s3], [sflag:$0xB] =	stream.linear.gather [hbm4b:s5+s3], $0x2710, $0x38;
	[tilespmem:$0x14E60] =	vst v63  }
0x1c: {  	_ =	swait.ge [sflag:s22], $0x2710  }
0x1d: {  	[sflag:s22] =	ssyncset.done $0x0  }
.Ltmp0:
0x1e: {  	s18 =	simm.s32 $0x2710;
	[sflag:s22] =	ssyncadd.s32 $0xFFFFD8F0;
	(pc) =	sbr.rel @p0 .LBB2_5-.Ltmp0, $4  }
0x1f: {  	[tilespmem:s18], [sflag:$0xB] =	stream.linear.gather [hbm4b:s6+s3], $0x2710, $0x38;
	[tilespmem:$0x14E60] =	vst v63  }
0x20: {  	_ =	swait.ge [sflag:s22], $0x2710  }
0x21: {  	[sflag:s22] =	ssyncset.done $0x0  }
0x22: {  	[sflag:s22] =	ssyncadd.s32 $0xFFFFD8F0  }
0x23: {  	s28 =	simm.s32 $0x100;
	s18 =	simm.s32 $0x0  }
.LBB2_3:
0x24: {  	p1 =	sne.s32 s28, $0x4F00;
	[tilespmem:s18+$0x4E50] =	vst v0;
	s19 =	smov.u32 s28;
	s28 =	sadd.s32 $0x100, s28  }
.Ltmp1:
0x25: {  	[tilespmem:s18+$0x4E40] =	vst v0;
	(pc) =	sbr.rel @p1 .LBB2_3-.Ltmp1, $3  }
0x26: {  	[tilespmem:s18+$0x4E20] =	vst v0  }
0x27: {  	[tilespmem:s18+$0x4E30] =	vst v0;
	_ =	sdelay $0x1  }
0x28: {  	s18 =	sshra.s32 s19, $0x2  }
0x29: {  	[tilespmem:s18+$0x4E50] =	vst v0  }
0x2a: {  	[tilespmem:s18+$0x4E40] =	vst v0  }
0x2b: {  	[tilespmem:s18+$0x4E20] =	vst v0  }
0x2c: {  	[tilespmem:s18+$0x4E30] =	vst v0  }
0x2d: {  	[spmem:s7] =	stream.linear.scatter [tilespmem:s24], [sflag:$0xB], $0x1400, $0x38;
	[tilespmem:$0x14E60] =	vst v63  }
0x2e: {  	_ =	swait.ge [sflag:s22], $0x1400  }
0x2f: {  	[sflag:s22] =	ssyncset.done $0x0  }
0x30: {  	s19 =	rddreg [dreg:$0x4];
	[sflag:s22] =	ssyncadd.s32 $0xFFFFEC00  }
0x31: {  	[spmem:s19] =	stream.linear.scatter [tilespmem:s24], [sflag:$0xB], $0x1400, $0x38;
	[tilespmem:$0x14E60] =	vst v63  }
0x32: {  	_ =	swait.ge [sflag:s22], $0x1400  }
0x33: {  	[sflag:s22] =	ssyncset.done $0x0  }
0x34: {  	s28 =	rddreg [dreg:$0x5];
	[sflag:s22] =	ssyncadd.s32 $0xFFFFEC00  }
0x35: {  	[spmem:s28] =	stream.linear.scatter [tilespmem:s24], [sflag:$0xB], $0x1400, $0x38;
	[tilespmem:$0x14E60] =	vst v63  }
0x36: {  	_ =	swait.ge [sflag:s22], $0x1400  }
0x37: {  	[sflag:s22] =	ssyncset.done $0x0  }
0x38: {  	s19 =	rddreg [dreg:$0x6];
	[sflag:s22] =	ssyncadd.s32 $0xFFFFEC00  }
0x39: {  	[spmem:s19] =	stream.linear.scatter [tilespmem:s24], [sflag:$0xB], $0x1400, $0x38;
	[tilespmem:$0x14E60] =	vst v63  }
0x3a: {  	_ =	swait.ge [sflag:s22], $0x1400  }
0x3b: {  	[sflag:s22] =	ssyncset.done $0x0  }
0x3c: {  	s28 =	rddreg [dreg:$0x7];
	[sflag:s22] =	ssyncadd.s32 $0xFFFFEC00  }
0x3d: {  	[spmem:s28] =	stream.linear.scatter [tilespmem:s24], [sflag:$0xB], $0x1400, $0x38;
	[tilespmem:$0x14E60] =	vst v63  }
0x3e: {  	_ =	swait.ge [sflag:s22], $0x1400  }
0x3f: {  	[sflag:s22] =	ssyncset.done $0x0  }
0x40: {  	s19 =	rddreg [dreg:$0x8];
	[sflag:s22] =	ssyncadd.s32 $0xFFFFEC00  }
0x41: {  	[spmem:s19] =	stream.linear.scatter [tilespmem:s24], [sflag:$0xB], $0x1400, $0x38;
	[tilespmem:$0x14E60] =	vst v63  }
0x42: {  	_ =	swait.ge [sflag:s22], $0x1400  }
0x43: {  	[sflag:s22] =	ssyncset.done $0x0  }
0x44: {  	s28 =	rddreg [dreg:$0x9];
	[sflag:s22] =	ssyncadd.s32 $0xFFFFEC00  }
0x45: {  	[spmem:s28] =	stream.linear.scatter [tilespmem:s24], [sflag:$0xB], $0x1400, $0x38;
	[tilespmem:$0x14E60] =	vst v63  }
0x46: {  	_ =	swait.ge [sflag:s22], $0x1400  }
0x47: {  	[sflag:s22] =	ssyncset.done $0x0  }
0x48: {  	s19 =	rddreg [dreg:$0xa];
	[sflag:s22] =	ssyncadd.s32 $0xFFFFEC00  }
0x49: {  	[spmem:s19] =	stream.linear.scatter [tilespmem:s24], [sflag:$0xB], $0x1400, $0x38;
	[tilespmem:$0x14E60] =	vst v63  }
0x4a: {  	_ =	swait.ge [sflag:s22], $0x1400  }
0x4b: {  	[sflag:s22] =	ssyncset.done $0x0  }
0x4c: {  	s28 =	rddreg [dreg:$0xb];
	[sflag:s22] =	ssyncadd.s32 $0xFFFFEC00  }
0x4d: {  	[spmem:s28] =	stream.linear.scatter [tilespmem:s24], [sflag:$0xB], $0x1400, $0x38;
	[tilespmem:$0x14E60] =	vst v63  }
0x4e: {  	_ =	swait.ge [sflag:s22], $0x1400  }
0x4f: {  	[sflag:s22] =	ssyncset.done $0x0  }
0x50: {  	s19 =	rddreg [dreg:$0xc];
	[sflag:s22] =	ssyncadd.s32 $0xFFFFEC00  }
0x51: {  	[spmem:s19] =	stream.linear.scatter [tilespmem:s24], [sflag:$0xB], $0x1400, $0x38;
	[tilespmem:$0x14E60] =	vst v63  }
0x52: {  	_ =	swait.ge [sflag:s22], $0x1400  }
0x53: {  	[sflag:s22] =	ssyncset.done $0x0  }
0x54: {  	s28 =	rddreg [dreg:$0xd];
	[sflag:s22] =	ssyncadd.s32 $0xFFFFEC00  }
0x55: {  	[spmem:s28] =	stream.linear.scatter [tilespmem:s24], [sflag:$0xB], $0x1400, $0x38;
	[tilespmem:$0x14E60] =	vst v63  }
0x56: {  	_ =	swait.ge [sflag:s22], $0x1400  }
0x57: {  	[sflag:s22] =	ssyncset.done $0x0  }
0x58: {  	s19 =	rddreg [dreg:$0xe];
	[sflag:s22] =	ssyncadd.s32 $0xFFFFEC00  }
0x59: {  	[spmem:s19] =	stream.linear.scatter [tilespmem:s24], [sflag:$0xB], $0x1400, $0x38;
	[tilespmem:$0x14E60] =	vst v63  }
0x5a: {  	_ =	swait.ge [sflag:s22], $0x1400  }
0x5b: {  	[sflag:s22] =	ssyncset.done $0x0  }
0x5c: {  	s28 =	rddreg [dreg:$0xf];
	[sflag:s22] =	ssyncadd.s32 $0xFFFFEC00  }
0x5d: {  	[spmem:s28] =	stream.linear.scatter [tilespmem:s24], [sflag:$0xB], $0xA00, $0x38;
	[tilespmem:$0x14E60] =	vst v63  }
0x5e: {  	_ =	swait.ge [sflag:s22], $0xA00  }
0x5f: {  	[sflag:s22] =	ssyncset.done $0x0  }
0x60: {  	[sflag:s22] =	ssyncadd.s32 $0xFFFFF600  }
.LBB2_5:
0x61: {  	[bflag:$0x0] =	sbarrier.arrive $0xFFFF;
	s18 =	simm.s32 $0x0  }
0x62: {  	[tilespmem:s24], [sflag:$0x1] =	stream.indirect.gather [hbm4b:s4+s25], $0x40, s18, s25, $0xb8;
	[tilespmem:$0x14E60] =	vst v63  }
0x63: {  	_ = 	snop  }
0x64: {  	[tilespmem:s26], [sflag:$0x2] =	stream.indirect.gather [hbm4b:s4+s25], $0x40, s25, s25, $0xb8;
	[tilespmem:$0x14E60] =	vst v63  }
0x65: {  	s19 =	simm.s32 $0xA0  }
0x66: {  	[tilespmem:s29], [sflag:$0x3] =	stream.indirect.gather [hbm4b:s4+s25], $0x40, s19, s25, $0xb8;
	[tilespmem:$0x14E60] =	vst v63  }
0x67: {  	s19 =	simm.s32 $0xF0  }
0x68: {  	[tilespmem:s31], [sflag:$0x4] =	stream.indirect.gather [hbm4b:s4+s25], $0x40, s19, s25, $0xb8;
	[tilespmem:$0x14E60] =	vst v63  }
0x69: {  	s19 =	simm.s32 $0x140  }
0x6a: {  	[tilespmem:s8], [sflag:$0x5] =	stream.indirect.gather [hbm4b:s4+s25], $0x40, s19, s25, $0xb8;
	[tilespmem:$0x14E60] =	vst v63  }
0x6b: {  	_ =	swait.ge [sflag:s9], $0x1400  }
0x6c: {  	[sflag:s9] =	ssyncset.done $0x0  }
0x6d: {  	s19 =	simm.s32 $0x2710;
	[sflag:s9] =	ssyncadd.s32 $0xFFFFEC00  }
0x6e: {  	[spmem:s2] =	stream.indirect.scatter.add.f32 [tilespmem:s24], [sflag:$0x6], $0x40, s19, s25, $0xb8;
	[tilespmem:$0x14E60] =	vst v63  }
0x6f: {  	_ =	swait.ge [sflag:s10], $0x1400  }
0x70: {  	[sflag:s10] =	ssyncset.done $0x0  }
0x71: {  	s19 =	simm.s32 $0x190;
	[sflag:s10] =	ssyncadd.s32 $0xFFFFEC00  }
0x72: {  	[tilespmem:s24], [sflag:$0x1] =	stream.indirect.gather [hbm4b:s4+s25], $0x40, s19, s25, $0xb8;
	[tilespmem:$0x14E60] =	vst v63  }
0x73: {  	_ =	swait.ge [sflag:s11], $0x1400  }
0x74: {  	[sflag:s11] =	ssyncset.done $0x0  }
0x75: {  	s19 =	simm.s32 $0x2760;
	[sflag:s11] =	ssyncadd.s32 $0xFFFFEC00  }
0x76: {  	[spmem:s2] =	stream.indirect.scatter.add.f32 [tilespmem:s26], [sflag:$0x7], $0x40, s19, s25, $0xb8;
	[tilespmem:$0x14E60] =	vst v63  }
0x77: {  	_ =	swait.ge [sflag:s12], $0x1400  }
0x78: {  	[sflag:s12] =	ssyncset.done $0x0  }
0x79: {  	s19 =	simm.s32 $0x1E0;
	[sflag:s12] =	ssyncadd.s32 $0xFFFFEC00  }
0x7a: {  	[tilespmem:s26], [sflag:$0x2] =	stream.indirect.gather [hbm4b:s4+s25], $0x40, s19, s25, $0xb8;
	[tilespmem:$0x14E60] =	vst v63  }
0x7b: {  	_ =	swait.ge [sflag:s13], $0x1400  }
0x7c: {  	[sflag:s13] =	ssyncset.done $0x0  }
0x7d: {  	s19 =	simm.s32 $0x27B0;
	[sflag:s13] =	ssyncadd.s32 $0xFFFFEC00  }
0x7e: {  	[spmem:s2] =	stream.indirect.scatter.add.f32 [tilespmem:s29], [sflag:$0x8], $0x40, s19, s25, $0xb8;
	[tilespmem:$0x14E60] =	vst v63  }
0x7f: {  	_ =	swait.ge [sflag:s23], $0x1400  }
0x80: {  	[sflag:s23] =	ssyncset.done $0x0  }
0x81: {  	s19 =	simm.s32 $0x230;
	[sflag:s23] =	ssyncadd.s32 $0xFFFFEC00  }
0x82: {  	[tilespmem:s29], [sflag:$0x3] =	stream.indirect.gather [hbm4b:s4+s25], $0x40, s19, s25, $0xb8;
	[tilespmem:$0x14E60] =	vst v63  }
0x83: {  	_ =	swait.ge [sflag:s14], $0x1400  }
0x84: {  	[sflag:s14] =	ssyncset.done $0x0  }
0x85: {  	s19 =	simm.s32 $0x2800;
	[sflag:s14] =	ssyncadd.s32 $0xFFFFEC00  }
0x86: {  	[spmem:s2] =	stream.indirect.scatter.add.f32 [tilespmem:s31], [sflag:$0x9], $0x40, s19, s25, $0xb8;
	[tilespmem:$0x14E60] =	vst v63  }
0x87: {  	_ =	swait.ge [sflag:s15], $0x1400  }
0x88: {  	[sflag:s15] =	ssyncset.done $0x0  }
0x89: {  	s19 =	simm.s32 $0x280;
	[sflag:s15] =	ssyncadd.s32 $0xFFFFEC00  }
0x8a: {  	[tilespmem:s31], [sflag:$0x4] =	stream.indirect.gather [hbm4b:s4+s25], $0x40, s19, s25, $0xb8;
	[tilespmem:$0x14E60] =	vst v63  }
0x8b: {  	_ =	swait.ge [sflag:s16], $0x1400  }
0x8c: {  	[sflag:s16] =	ssyncset.done $0x0  }
0x8d: {  	s19 =	simm.s32 $0x2850;
	[sflag:s16] =	ssyncadd.s32 $0xFFFFEC00  }
0x8e: {  	[spmem:s2] =	stream.indirect.scatter.add.f32 [tilespmem:s8], [sflag:$0xA], $0x40, s19, s25, $0xb8;
	[tilespmem:$0x14E60] =	vst v63  }
0x8f: {  	_ =	swait.ge [sflag:s17], $0x1400  }
0x90: {  	[sflag:s17] =	ssyncset.done $0x0  }
0x91: {  	s28 =	simm.s32 $0x640;
	s18 =	simm.s32 $0x2D0;
	[sflag:s17] =	ssyncadd.s32 $0xFFFFEC00  }
.LBB2_6:
0x92: {  	[tilespmem:s8], [sflag:$0x5] =	stream.indirect.gather [hbm4b:s4+s25], $0x40, s18, s25, $0xb8;
	[tilespmem:$0x14E60] =	vst v63  }
0x93: {  	s18 =	smov.u32 s28  }
0x94: {  	p1 =	sne.s32 s28, $0x8FC0;
	s28 =	sadd.s32 $0x640, s28;
	_ =	swait.ge [sflag:s9], $0x1400  }
0x95: {  	s18 =	sshra.s32 s18, $0x2;
	[sflag:s9] =	ssyncset.done $0x0  }
0x96: {  	s19 =	sadd.s32 $0x2710, s18;
	[sflag:s9] =	ssyncadd.s32 $0xFFFFEC00  }
0x97: {  	[spmem:s2] =	stream.indirect.scatter.add.f32 [tilespmem:s24], [sflag:$0x6], $0x40, s19, s25, $0xb8;
	[tilespmem:$0x14E60] =	vst v63  }
0x98: {  	_ =	swait.ge [sflag:s10], $0x1400  }
0x99: {  	[sflag:s10] =	ssyncset.done $0x0  }
0x9a: {  	s19 =	sadd.s32 $0x190, s18;
	[sflag:s10] =	ssyncadd.s32 $0xFFFFEC00  }
0x9b: {  	[tilespmem:s24], [sflag:$0x1] =	stream.indirect.gather [hbm4b:s4+s25], $0x40, s19, s25, $0xb8;
	[tilespmem:$0x14E60] =	vst v63  }
0x9c: {  	_ =	swait.ge [sflag:s11], $0x1400  }
0x9d: {  	[sflag:s11] =	ssyncset.done $0x0  }
0x9e: {  	s19 =	sadd.s32 $0x2760, s18;
	[sflag:s11] =	ssyncadd.s32 $0xFFFFEC00  }
0x9f: {  	[spmem:s2] =	stream.indirect.scatter.add.f32 [tilespmem:s26], [sflag:$0x7], $0x40, s19, s25, $0xb8;
	[tilespmem:$0x14E60] =	vst v63  }
0xa0: {  	_ =	swait.ge [sflag:s12], $0x1400  }
0xa1: {  	[sflag:s12] =	ssyncset.done $0x0  }
0xa2: {  	s19 =	sadd.s32 $0x1E0, s18;
	[sflag:s12] =	ssyncadd.s32 $0xFFFFEC00  }
0xa3: {  	[tilespmem:s26], [sflag:$0x2] =	stream.indirect.gather [hbm4b:s4+s25], $0x40, s19, s25, $0xb8;
	[tilespmem:$0x14E60] =	vst v63  }
0xa4: {  	_ =	swait.ge [sflag:s13], $0x1400  }
0xa5: {  	[sflag:s13] =	ssyncset.done $0x0  }
0xa6: {  	s19 =	sadd.s32 $0x27B0, s18;
	[sflag:s13] =	ssyncadd.s32 $0xFFFFEC00  }
0xa7: {  	[spmem:s2] =	stream.indirect.scatter.add.f32 [tilespmem:s29], [sflag:$0x8], $0x40, s19, s25, $0xb8;
	[tilespmem:$0x14E60] =	vst v63  }
0xa8: {  	_ =	swait.ge [sflag:s23], $0x1400  }
0xa9: {  	[sflag:s23] =	ssyncset.done $0x0  }
0xaa: {  	s19 =	sadd.s32 $0x230, s18;
	[sflag:s23] =	ssyncadd.s32 $0xFFFFEC00  }
0xab: {  	[tilespmem:s29], [sflag:$0x3] =	stream.indirect.gather [hbm4b:s4+s25], $0x40, s19, s25, $0xb8;
	[tilespmem:$0x14E60] =	vst v63  }
0xac: {  	_ =	swait.ge [sflag:s14], $0x1400  }
0xad: {  	[sflag:s14] =	ssyncset.done $0x0  }
0xae: {  	s19 =	sadd.s32 $0x2800, s18;
	[sflag:s14] =	ssyncadd.s32 $0xFFFFEC00  }
0xaf: {  	[spmem:s2] =	stream.indirect.scatter.add.f32 [tilespmem:s31], [sflag:$0x9], $0x40, s19, s25, $0xb8;
	[tilespmem:$0x14E60] =	vst v63  }
0xb0: {  	_ =	swait.ge [sflag:s15], $0x1400  }
0xb1: {  	[sflag:s15] =	ssyncset.done $0x0  }
0xb2: {  	s19 =	sadd.s32 $0x280, s18;
	[sflag:s15] =	ssyncadd.s32 $0xFFFFEC00  }
0xb3: {  	[tilespmem:s31], [sflag:$0x4] =	stream.indirect.gather [hbm4b:s4+s25], $0x40, s19, s25, $0xb8;
	[tilespmem:$0x14E60] =	vst v63  }
0xb4: {  	_ =	swait.ge [sflag:s16], $0x1400  }
0xb5: {  	[sflag:s16] =	ssyncset.done $0x0  }
.Ltmp2:
0xb6: {  	s19 =	sadd.s32 $0x2850, s18;
	[sflag:s16] =	ssyncadd.s32 $0xFFFFEC00;
	(pc) =	sbr.rel @p1 .LBB2_6-.Ltmp2, $4  }
0xb7: {  	[spmem:s2] =	stream.indirect.scatter.add.f32 [tilespmem:s8], [sflag:$0xA], $0x40, s19, s25, $0xb8;
	[tilespmem:$0x14E60] =	vst v63  }
0xb8: {  	_ =	swait.ge [sflag:s17], $0x1400  }
0xb9: {  	[sflag:s17] =	ssyncset.done $0x0  }
0xba: {  	s18 =	sadd.s32 $0x2D0, s18;
	[sflag:s17] =	ssyncadd.s32 $0xFFFFEC00  }
0xbb: {  	[tilespmem:s8], [sflag:$0x5] =	stream.indirect.gather [hbm4b:s4+s25], $0x40, s18, s25, $0xb8;
	[tilespmem:$0x14E60] =	vst v63  }
0xbc: {  	_ =	swait.ge [sflag:s9], $0x1400  }
0xbd: {  	[sflag:s9] =	ssyncset.done $0x0  }
0xbe: {  	s28 =	simm.s32 $0x4C90;
	[sflag:s9] =	ssyncadd.s32 $0xFFFFEC00  }
0xbf: {  	[spmem:s2] =	stream.indirect.scatter.add.f32 [tilespmem:s24], [sflag:$0x6], $0x40, s28, s25, $0xb8;
	[tilespmem:$0x14E60] =	vst v63  }
0xc0: {  	_ =	swait.ge [sflag:s10], $0x1400  }
0xc1: {  	[sflag:s10] =	ssyncset.done $0x0  }
0xc2: {  	[sflag:s10] =	ssyncadd.s32 $0xFFFFEC00  }
0xc3: {  	_ =	swait.ge [sflag:s11], $0x1400  }
0xc4: {  	[sflag:s11] =	ssyncset.done $0x0  }
0xc5: {  	s19 =	simm.s32 $0x4CE0;
	[sflag:s11] =	ssyncadd.s32 $0xFFFFEC00  }
0xc6: {  	[spmem:s2] =	stream.indirect.scatter.add.f32 [tilespmem:s26], [sflag:$0x7], $0x40, s19, s25, $0xb8;
	[tilespmem:$0x14E60] =	vst v63  }
0xc7: {  	_ =	swait.ge [sflag:s12], $0x1400  }
0xc8: {  	[sflag:s12] =	ssyncset.done $0x0  }
0xc9: {  	[sflag:s12] =	ssyncadd.s32 $0xFFFFEC00  }
0xca: {  	_ =	swait.ge [sflag:s13], $0x1400  }
0xcb: {  	[sflag:s13] =	ssyncset.done $0x0  }
0xcc: {  	s28 =	simm.s32 $0x4D30;
	[sflag:s13] =	ssyncadd.s32 $0xFFFFEC00  }
0xcd: {  	[spmem:s2] =	stream.indirect.scatter.add.f32 [tilespmem:s29], [sflag:$0x8], $0x40, s28, s25, $0xb8;
	[tilespmem:$0x14E60] =	vst v63  }
0xce: {  	_ =	swait.ge [sflag:s23], $0x1400  }
0xcf: {  	[sflag:s23] =	ssyncset.done $0x0  }
0xd0: {  	[sflag:s23] =	ssyncadd.s32 $0xFFFFEC00  }
0xd1: {  	_ =	swait.ge [sflag:s14], $0x1400  }
0xd2: {  	[sflag:s14] =	ssyncset.done $0x0  }
0xd3: {  	[sflag:s14] =	ssyncadd.s32 $0xFFFFEC00  }
0xd4: {  	[spmem:s2] =	stream.indirect.scatter.add.f32 [tilespmem:s31], [sflag:$0x9], $0x40, s30, s25, $0xb8;
	[tilespmem:$0x14E60] =	vst v63  }
0xd5: {  	_ =	swait.ge [sflag:s15], $0x1400  }
0xd6: {  	[sflag:s15] =	ssyncset.done $0x0  }
0xd7: {  	[sflag:s15] =	ssyncadd.s32 $0xFFFFEC00  }
0xd8: {  	_ =	swait.ge [sflag:s16], $0x1400  }
0xd9: {  	[sflag:s16] =	ssyncset.done $0x0  }
0xda: {  	[sflag:s16] =	ssyncadd.s32 $0xFFFFEC00  }
0xdb: {  	[spmem:s2] =	stream.indirect.scatter.add.f32 [tilespmem:s8], [sflag:$0xA], $0x40, s0, s25, $0xb8;
	[tilespmem:$0x14E60] =	vst v63  }
0xdc: {  	_ =	swait.ge [sflag:s17], $0x1400  }
0xdd: {  	s18 =	stileid.u32;
	s1 =	sadd.s32 $0x1, s1;
	[sflag:s17] =	ssyncset.done $0x0  }
0xde: {  	s18 =	sshll.u32 @!p0 s18, $0x6;
	p1 =	sne.s32 s1, s21;
	[sflag:s17] =	ssyncadd.s32 $0xFFFFEC00  }
0xdf: {  	s18 =	sor.u32 @!p0 $0x1C0B, s18;
	s19 =	sshrl.u32 @!p0 s7, $0x3;
	[bflag:$0x0] =	sbarrier.arrive $0xFFFF  }
0xe0: {  	[hbm:s20], [sflag:s18] =	dma.local @!p0 [spmem:s19], $0x1F40  }
.Ltmp3:
0xe1: {  	_ = 	snop;
	(pc) =	sbr.rel @p1 .LBB2_1-.Ltmp3, $4  }
0xe2: {  	s18 =	simm.s32 @!p0 $0xB  }
0xe3: {  	_ =	swait.ge @!p0 [sflag:s18], $0x1F40  }
0xe4: {  	[sflag:s18] =	ssyncset.done @!p0 $0x0  }
0xe5: {  	[sflag:s18] =	ssyncadd.s32 @!p0 $0xFFFFE0C0  }
0xe6: {  	_ =	sfence.sel $0x180000  }
0xe7: {  	[bflag:$0x0] =	sbarrier.arrive $0xFFFF  }
0xe8: {  	_ =	strace $0x90000047  }
0xe9: {  	s0 =	stileid.u32;
	[bflag:$0x2] =	sbarrier.arrive $0xFFFF  }
0xea: {  	p0 =	sne.s32 s0, $0x0;
	s0 =	rddreg [dreg:$0x3]  }
0xeb: {  	s0 =	sadd.s32 @!p0 $0x100000, s0  }
0xec: {  	[sflag:s0] =	ssyncadd.tile.s32 @!p0 $0x1;
	_ =	shalt  }
.Lfunc_end2:
_tile_overlayer_lowered:
.L_overlay_start_2:
0xed: {  	(tag) =	ssettag $0x2  }
0xee: {  	s0 =	rddreg [dreg:$0x0];
	s2 =	stileid.u32  }
0xef: {  	s1 =	rddreg [dreg:$0x1];
	p0 =	sne.s32 s2, $0x0  }
0xf0: {  	s3 =	rddreg [dreg:$0x2];
	[bflag:$0x3] =	sbarrier.arrive $0xFFFF;
	s2 =	simm.s32 @!p0 $0x1C0B  }
0xf1: {  	[timem:s3], [sflag:s2] =	dma.local @!p0 [hbm:s0], s1  }
0xf2: {  	s0 =	simm.s32 @!p0 $0xB  }
0xf3: {  	_ =	swait.ge @!p0 [sflag:s0], s1  }
0xf4: {  	s1 =	ssub.s32 @!p0 $0x0, s1;
	[sflag:s0] =	ssyncset.done @!p0 $0x0  }
0xf5: {  	[sflag:s0] =	ssyncadd.s32 @!p0 s1  }
0xf6: {  	[bflag:$0x3] =	sbarrier.arrive $0xFFFF  }
0xf7: {  	_ =	shalt  }

</sc_bundles>
